<compile_context>
chip_gen: v7x
topology: tpu7x:2x2x1
jax: 0.10.2.dev20260603
libtpu: 0.0.44.dev20260713+nightly
codegen_flags: <defaults>
</compile_context>

<pallas_src>
import jax
import jax.numpy as jnp
from jax import lax
from jax.experimental import pallas as pl
from jax.experimental.pallas import tpu as pltpu
from jax.experimental.pallas import tpu_sc as plsc

N_NODES = 10000
N_PAD = 10240
DIM = 128
BLK = 512

NC = 2
NS = 16
NW = NC * NS
E_PAD = 327680
EW = E_PAD // NW
EW0 = 15360
EW1 = 5120
EWM = max(EW0, EW1)
E_ALLOC = NS * (EW0 + EW1) + max(0, EW0 - EW1)
C2 = 64
EWB = 2560
CPP = EWB // C2
ROWS_T = N_PAD // NS
NEG = -1e30


def _leaky(x):
    return jnp.where(x >= 0, x, 0.01 * x)


def _tc_node_body(h_ref, wfc_ref, wcat_ref, z_ref, s_ref):
    z = _leaky(jnp.dot(h_ref[...], wfc_ref[...].T,
                       preferred_element_type=jnp.float32))
    z_ref[...] = z
    s_ref[...] = jnp.dot(z, wcat_ref[...].T,
                         preferred_element_type=jnp.float32)


def _tc_node_transform(h_pad, W_fc, Wcat_scaled):
    return pl.pallas_call(
        _tc_node_body,
        grid=(N_PAD // BLK,),
        in_specs=[
            pl.BlockSpec((BLK, DIM), lambda i: (i, 0)),
            pl.BlockSpec((DIM, DIM), lambda i: (0, 0)),
            pl.BlockSpec((2, DIM), lambda i: (0, 0)),
        ],
        out_specs=[
            pl.BlockSpec((BLK, DIM), lambda i: (i, 0)),
            pl.BlockSpec((BLK, 2), lambda i: (i, 0)),
        ],
        out_shape=[
            jax.ShapeDtypeStruct((N_PAD, DIM), jnp.float32),
            jax.ShapeDtypeStruct((N_PAD, 2), jnp.float32),
        ],
    )(h_pad, W_fc, Wcat_scaled)


def _sc_logits_body(src_h, dst_h, u_h, s1_h, s2_h, wm_h,
                    ne_h, mpart_h,
                    s1_v, s2_v, mmax_v, src_v, dst_v, u_v, ne_v, wm_v,
                    macc_v, mtmp_v, shared_max):
    cid = lax.axis_index("c")
    sid = lax.axis_index("s")
    wid = cid * NS + sid
    base = wid * EW
    pltpu.sync_copy(s1_h, s1_v)
    pltpu.sync_copy(s2_h, s2_v)
    pltpu.sync_copy(wm_h, wm_v)
    pltpu.sync_copy(src_h.at[pl.ds(base, EW)], src_v)
    pltpu.sync_copy(dst_h.at[pl.ds(base, EW)], dst_v)
    pltpu.sync_copy(u_h.at[pl.ds(base, EW)], u_v)
    wm = wm_v[...]

    def init(i, carry):
        mmax_v[pl.ds(i * 16, 16)] = jnp.full((16,), NEG, jnp.float32)
        return carry
    lax.fori_loop(0, N_PAD // 16, init, 0)

    def grp(g, carry):
        sl = pl.ds(g * 16, 16)
        src16 = src_v[sl]
        dst16 = dst_v[sl]
        u16 = u_v[sl]
        a = plsc.load_gather(s1_v, [src16]) + plsc.load_gather(s2_v, [dst16])
        t = a * u16
        ne = wm * jnp.where(t >= 0, t, 0.01 * t)
        ne_v[sl] = ne

        def rtry(r, c2):
            cur = plsc.load_gather(mmax_v, [dst16])
            plsc.store_scatter(mmax_v, [dst16], ne, mask=ne > cur)
            return c2
        lax.fori_loop(0, 6, rtry, 0)
        return carry
    lax.fori_loop(0, EW // 16, grp, 0)
    pltpu.sync_copy(ne_v, ne_h.at[pl.ds(base, EW)])

    pltpu.sync_copy(mmax_v, shared_max.at[sid])
    plsc.subcore_barrier()
    rsl = pl.ds(sid * ROWS_T, ROWS_T)
    pltpu.sync_copy(shared_max.at[0, rsl], macc_v)

    def mrg(t, carry):
        pltpu.sync_copy(shared_max.at[t, rsl], mtmp_v)

        def mx(i, c2):
            isl = pl.ds(i * 16, 16)
            macc_v[isl] = jnp.maximum(macc_v[isl], mtmp_v[isl])
            return c2
        lax.fori_loop(0, ROWS_T // 16, mx, 0)
        return carry
    lax.fori_loop(1, NS, mrg, 0)
    pltpu.sync_copy(macc_v, mpart_h.at[cid, rsl])


def _sc_agg_body(src_h, dst2_h, ne_h, mpart_h, z_h,
                 acc_h, den_h,
                 m_v, src_v, ne_v, dst2_v, u_c0, u_c1, idx0, idx1,
                 rows0, rows1, zden_v, acc_sp, den_sp, sem0, sem1):
    cid = lax.axis_index("c")
    sid = lax.axis_index("s")
    base = jnp.where(cid == 0, sid * EW0, NS * EW0 + sid * EW1)
    npass = jnp.where(cid == 0, EW0 // EWB, EW1 // EWB)

    pltpu.sync_copy(mpart_h.at[0], m_v)

    def mpass(q, carry):
        pltpu.sync_copy(mpart_h.at[1, pl.ds(q * EWB, EWB)], ne_v)

        def mx(i, c2):
            m_v[pl.ds(q * EWB + i * 16, 16)] = jnp.maximum(
                m_v[pl.ds(q * EWB + i * 16, 16)], ne_v[pl.ds(i * 16, 16)])
            return c2
        lax.fori_loop(0, EWB // 16, mx, 0)
        return carry
    lax.fori_loop(0, N_PAD // EWB, mpass, 0)

    def z16(i, carry):
        for j in range(DIM // 16):
            rows0[i, pl.ds(j * 16, 16)] = jnp.zeros((16,), jnp.float32)
        return carry
    lax.fori_loop(0, C2, z16, 0)

    def zden(i, carry):
        zden_v[pl.ds(i * 16, 16)] = jnp.zeros((16,), jnp.float32)
        return carry
    lax.fori_loop(0, ROWS_T // 16, zden, 0)

    def zacc(i, carry):
        pltpu.sync_copy(rows0, acc_sp.at[pl.ds(sid * ROWS_T + i * C2, C2)])
        return carry
    lax.fori_loop(0, ROWS_T // C2, zacc, 0)
    pltpu.sync_copy(zden_v, den_sp.at[pl.ds(sid * ROWS_T, ROWS_T)])
    plsc.subcore_barrier()

    bufs = ((u_c0, rows0, sem0, idx0), (u_c1, rows1, sem1, idx1))

    def issue_gather(c, b):
        _, rows_b, sem_b, _ = bufs[b]
        pltpu.async_copy(z_h.at[src_v.at[pl.ds(c * C2, C2)]], rows_b, sem_b)

    def pas(p, carry):
        pbase = pl.multiple_of(base + p * EWB, EWB)
        prow = pl.multiple_of(pbase // C2, CPP)
        pltpu.sync_copy(src_h.at[pl.ds(pbase, EWB)], src_v)
        pltpu.sync_copy(ne_h.at[pl.ds(pbase, EWB)], ne_v)
        pltpu.sync_copy(dst2_h.at[pl.ds(prow, CPP)], dst2_v)
        for b in (0, 1):
            issue_gather(b, b)

        def outer(c2i, carry2):
            for b in (0, 1):
                u_b, rows_b, sem_b, idx_b = bufs[b]
                c = 2 * c2i + b

                def grp(g, c3):
                    sl = pl.ds(g * 16, 16)
                    dst16 = dst2_v[c, sl]
                    idx_b[sl] = dst16
                    m16 = plsc.load_gather(m_v, [dst16])
                    u_b[sl] = jnp.exp(ne_v[pl.ds(c * C2 + g * 16, 16)] - m16)
                    return c3
                lax.fori_loop(0, C2 // 16, grp, 0)

                pltpu.make_async_copy(z_h.at[pl.ds(0, C2)], rows_b,
                                      sem_b).wait()

                def scale(e, c3):
                    ue = plsc.load_gather(u_b,
                                          [jnp.zeros((16,), jnp.int32) + e])
                    for j in range(DIM // 16):
                        jsl = pl.ds(j * 16, 16)
                        rows_b[e, jsl] = rows_b[e, jsl] * ue
                    return c3
                lax.fori_loop(0, C2, scale, 0)

                pltpu.sync_copy(u_b, den_sp.at[idx_b], add=True)
                pltpu.sync_copy(rows_b, acc_sp.at[idx_b], add=True)

                @pl.when(c + 2 < CPP)
                def _():
                    issue_gather(c + 2, b)
            return carry2
        lax.fori_loop(0, CPP // 2, outer, 0)
        return carry
    lax.fori_loop(0, npass, pas, 0)
    plsc.subcore_barrier()

    rsl = pl.ds(sid * ROWS_T, ROWS_T)
    pltpu.sync_copy(acc_sp.at[rsl], acc_h.at[cid, rsl])
    pltpu.sync_copy(den_sp.at[rsl], den_h.at[cid, rsl])


def _tc_merge_body(acc_ref, den_ref, o_ref):
    num = acc_ref[0] + acc_ref[1]
    den = den_ref[0] + den_ref[1]
    d = jnp.where(den > 0, den, 1.0)
    o_ref[...] = _leaky(num / d)


def _tc_merge(acc, den3):
    return pl.pallas_call(
        _tc_merge_body,
        grid=(N_PAD // BLK,),
        in_specs=[
            pl.BlockSpec((NC, BLK, DIM), lambda i: (0, i, 0)),
            pl.BlockSpec((NC, BLK, 1), lambda i: (0, i, 0)),
        ],
        out_specs=pl.BlockSpec((BLK, DIM), lambda i: (i, 0)),
        out_shape=jax.ShapeDtypeStruct((N_PAD, DIM), jnp.float32),
    )(acc, den3)


def kernel(h, edge_index, edge_attr, W_fc, W_attn, W_edge, W_m):
    E = edge_index.shape[1]
    src = edge_index[0].astype(jnp.int32)
    dst = edge_index[1].astype(jnp.int32)
    u = edge_attr[:, 0]
    pad = E_ALLOC - E
    src = jnp.concatenate([src, jnp.zeros((pad,), jnp.int32)])
    pad_dst = N_NODES + (jnp.arange(pad, dtype=jnp.int32) % (N_PAD - N_NODES))
    dst = jnp.concatenate([dst, pad_dst])
    u = jnp.concatenate([u, jnp.zeros((pad,), jnp.float32)])

    h_pad = jnp.pad(h, ((0, N_PAD - N_NODES), (0, 0)))
    Wcat_scaled = W_attn.reshape(2, DIM) * W_edge[0, 0]
    z, s = _tc_node_transform(h_pad, W_fc, Wcat_scaled)
    s1 = s[:, 0] + 0.0
    s2 = s[:, 1] + 0.0
    wm16 = jnp.full((16,), W_m[0, 0], jnp.float32)

    mesh = plsc.VectorSubcoreMesh(core_axis_name="c", subcore_axis_name="s")

    sc_params = pltpu.CompilerParams(needs_layout_passes=False)
    sc1 = pl.kernel(
        _sc_logits_body,
        mesh=mesh,
        compiler_params=sc_params,
        out_type=[
            jax.ShapeDtypeStruct((E_ALLOC,), jnp.float32),
            jax.ShapeDtypeStruct((NC, N_PAD), jnp.float32),
        ],
        scratch_types=[
            pltpu.VMEM((N_PAD,), jnp.float32),
            pltpu.VMEM((N_PAD,), jnp.float32),
            pltpu.VMEM((N_PAD,), jnp.float32),
            pltpu.VMEM((EW,), jnp.int32),
            pltpu.VMEM((EW,), jnp.int32),
            pltpu.VMEM((EW,), jnp.float32),
            pltpu.VMEM((EW,), jnp.float32),
            pltpu.VMEM((16,), jnp.float32),
            pltpu.VMEM((ROWS_T,), jnp.float32),
            pltpu.VMEM((ROWS_T,), jnp.float32),
            pltpu.VMEM_SHARED((NS, N_PAD), jnp.float32),
        ],
    )
    ne, mpart = sc1(src, dst, u, s1, s2, wm16)

    sc2 = pl.kernel(
        _sc_agg_body,
        mesh=mesh,
        compiler_params=sc_params,
        out_type=[
            jax.ShapeDtypeStruct((NC, N_PAD, DIM), jnp.float32),
            jax.ShapeDtypeStruct((NC, N_PAD), jnp.float32),
        ],
        scratch_types=[
            pltpu.VMEM((N_PAD,), jnp.float32),
            pltpu.VMEM((EWB,), jnp.int32),
            pltpu.VMEM((EWB,), jnp.float32),
            pltpu.VMEM((CPP, C2), jnp.int32),
            pltpu.VMEM((C2,), jnp.float32),
            pltpu.VMEM((C2,), jnp.float32),
            pltpu.VMEM((C2,), jnp.int32),
            pltpu.VMEM((C2,), jnp.int32),
            pltpu.VMEM((C2, DIM), jnp.float32),
            pltpu.VMEM((C2, DIM), jnp.float32),
            pltpu.VMEM((ROWS_T,), jnp.float32),
            pltpu.VMEM_SHARED((N_PAD, DIM), jnp.float32),
            pltpu.VMEM_SHARED((N_PAD,), jnp.float32),
            pltpu.SemaphoreType.DMA,
            pltpu.SemaphoreType.DMA,
        ],
    )
    dst2 = dst.reshape(E_ALLOC // C2, C2)
    acc, den = sc2(src, dst2, ne, mpart, z)

    out = _tc_merge(acc, den.reshape(NC, N_PAD, 1))
    return out[:N_NODES]

# --- scband reference (transcript-rebuilt; emitter-appended) ---
"""Pipeline reference for scband-gated-multi-head-gatlayer-16363825398384 (READ-ONLY COPY).

The authoritative reference and input builder live on the scoring server;
editing this copy changes nothing except your own understanding.
"""

import jax, jax.numpy as jnp
import numpy as np

IN_DIM = 128
OUT_DIM = 128
N_NODES = 10000
N_EDGES = 320000

def _leaky(x):
    return jax.nn.leaky_relu(x, negative_slope=0.01)

def setup_inputs(seed: int = 0) -> dict:
    key = jax.random.key(seed)
    k1, k2, k3, k4, k5, k6, k7 = jax.random.split(key, 7)
    h = jax.random.normal(k1, (N_NODES, IN_DIM), dtype=jnp.float32)
    edge_index = jax.random.randint(k2, (2, N_EDGES), 0, N_NODES, dtype=jnp.int64)
    edge_attr = jax.random.uniform(k3, (N_EDGES, 1), dtype=jnp.float32)
    gain = float(np.sqrt(2.0))  # relu gain used by xavier_normal_
    W_fc = jax.random.normal(k4, (OUT_DIM, IN_DIM), dtype=jnp.float32) * (gain * np.sqrt(2.0 / (IN_DIM + OUT_DIM)))
    W_attn = jax.random.normal(k5, (1, 2 * OUT_DIM), dtype=jnp.float32) * (gain * np.sqrt(2.0 / (2 * OUT_DIM + 1)))
    W_edge = jax.random.normal(k6, (1, 1), dtype=jnp.float32) * (gain * np.sqrt(2.0 / 2))
    W_m = jax.random.normal(k7, (1, 1), dtype=jnp.float32) * (gain * np.sqrt(2.0 / 2))
    return {"h": h, "edge_index": edge_index, "edge_attr": edge_attr,
            "W_fc": W_fc, "W_attn": W_attn, "W_edge": W_edge, "W_m": W_m}

def _gat_layer(h, edge_index, edge_attr, W_fc, W_attn, W_edge, W_m):
    N = h.shape[0]
    src = edge_index[0]
    dst = edge_index[1]
    # node transform: z = leaky_relu(fc(h))
    z = _leaky(h @ W_fc.T)
    # edge attention: a = attn_fc([z_src, z_dst]); ev = edge_fc(edge_attr); e = leaky_relu(a*ev)
    z_src = jnp.take(z, src, axis=0)
    z_dst = jnp.take(z, dst, axis=0)
    a = jnp.concatenate([z_src, z_dst], axis=1) @ W_attn.T  # [E,1]
    ev = edge_attr @ W_edge.T  # [E,1]
    e = _leaky(a * ev)  # [E,1]
    # reduce: new_e = m_fc(e); alpha = softmax over incoming edges per dst; h = sum alpha * z_src
    new_e = e @ W_m.T  # [E,1]
    seg_max = jax.ops.segment_max(new_e, dst, num_segments=N)
    seg_max = jnp.where(jnp.isfinite(seg_max), seg_max, 0.0)
    ex = jnp.exp(new_e - jnp.take(seg_max, dst, axis=0))
    denom = jax.ops.segment_sum(ex, dst, num_segments=N)
    alpha = ex / jnp.take(denom, dst, axis=0)
    h_out = jax.ops.segment_sum(alpha * z_src, dst, num_segments=N)
    return h_out

def reference(h, edge_index, edge_attr, W_fc, W_attn, W_edge, W_m):
    # num_heads == 1, require_gru == False: out = leaky_relu(gat_out_att(g, h))
    x = _gat_layer(h, edge_index, edge_attr, W_fc, W_attn, W_edge, W_m)
    return _leaky(x)

if __name__ == "__main__":
    import jax
    _d = setup_inputs()
    print(jax.jit(kernel)(*tuple(_d.values())))

</pallas_src>

<mosaic_0001>
#map = affine_map<(d0, d1) -> (0)>
#map1 = affine_map<(d0, d1) -> (0, 0)>
module attributes {stable_mosaic.version = 14 : i64} {
  func.func @_sc_logits_body(%arg0: i32, %arg1: i32, %arg2: memref<337920xi32, #tpu.memory_space<hbm>>, %arg3: memref<337920xi32, #tpu.memory_space<hbm>>, %arg4: memref<337920xf32, #tpu.memory_space<hbm>>, %arg5: memref<10240xf32, #tpu.memory_space<hbm>>, %arg6: memref<10240xf32, #tpu.memory_space<hbm>>, %arg7: memref<16xf32, #tpu.memory_space<hbm>>, %arg8: memref<337920xf32, #tpu.memory_space<hbm>>, %arg9: memref<2x10240xf32, #tpu.memory_space<hbm>>, %arg10: memref<10240xf32, #tpu.memory_space<vmem>>, %arg11: memref<10240xf32, #tpu.memory_space<vmem>>, %arg12: memref<10240xf32, #tpu.memory_space<vmem>>, %arg13: memref<10240xi32, #tpu.memory_space<vmem>>, %arg14: memref<10240xi32, #tpu.memory_space<vmem>>, %arg15: memref<10240xf32, #tpu.memory_space<vmem>>, %arg16: memref<10240xf32, #tpu.memory_space<vmem>>, %arg17: memref<16xf32, #tpu.memory_space<vmem>>, %arg18: memref<640xf32, #tpu.memory_space<vmem>>, %arg19: memref<640xf32, #tpu.memory_space<vmem>>, %arg20: memref<16x10240xf32, #tpu.memory_space<vmem_shared>>) attributes {dimension_semantics = [#tpu.dimension_semantics<core_parallel>, #tpu.dimension_semantics<subcore_parallel>], iteration_bounds = array<i64: 2, 16>, scalar_prefetch = 0 : i64, scratch_operands = 11 : i64, tpu.core_type = #tpu.core_type<sc_vector_subcore>, window_params = [{transform_indices = #map}, {transform_indices = #map}, {transform_indices = #map}, {transform_indices = #map}, {transform_indices = #map}, {transform_indices = #map}, {transform_indices = #map}, {transform_indices = #map1}]} {
    %mul3A = arith.constant 16 : i32
    %mul3A_0 = arith.muli %arg0, %mul3A : i32
    %add3A = arith.addi %mul3A_0, %arg1 : i32
    %mul3A_1 = arith.constant 10240 : i32
    %mul3A_2 = arith.muli %add3A, %mul3A_1 : i32
    "tpu.region"() ({
      %run_scoped3A_23 = tpu.sem_alloc : memref<!tpu.dma_semaphore, #tpu.memory_space<semaphore_mem>>
      tpu.enqueue_dma source(%arg5 : memref<10240xf32, #tpu.memory_space<hbm>>) target(%arg10 : memref<10240xf32, #tpu.memory_space<vmem>>) target_semaphore(%run_scoped3A_23 : memref<!tpu.dma_semaphore, #tpu.memory_space<semaphore_mem>>)
      tpu.wait_dma2 semaphore(%run_scoped3A_23 : memref<!tpu.dma_semaphore, #tpu.memory_space<semaphore_mem>>) src(%arg5 : memref<10240xf32, #tpu.memory_space<hbm>>) dst(%arg10 : memref<10240xf32, #tpu.memory_space<vmem>>)
      tpu.yield
    }) : () -> ()
    "tpu.region"() ({
      %run_scoped3A_23 = tpu.sem_alloc : memref<!tpu.dma_semaphore, #tpu.memory_space<semaphore_mem>>
      tpu.enqueue_dma source(%arg6 : memref<10240xf32, #tpu.memory_space<hbm>>) target(%arg11 : memref<10240xf32, #tpu.memory_space<vmem>>) target_semaphore(%run_scoped3A_23 : memref<!tpu.dma_semaphore, #tpu.memory_space<semaphore_mem>>)
      tpu.wait_dma2 semaphore(%run_scoped3A_23 : memref<!tpu.dma_semaphore, #tpu.memory_space<semaphore_mem>>) src(%arg6 : memref<10240xf32, #tpu.memory_space<hbm>>) dst(%arg11 : memref<10240xf32, #tpu.memory_space<vmem>>)
      tpu.yield
    }) : () -> ()
    "tpu.region"() ({
      %run_scoped3A_23 = tpu.sem_alloc : memref<!tpu.dma_semaphore, #tpu.memory_space<semaphore_mem>>
      tpu.enqueue_dma source(%arg7 : memref<16xf32, #tpu.memory_space<hbm>>) target(%arg17 : memref<16xf32, #tpu.memory_space<vmem>>) target_semaphore(%run_scoped3A_23 : memref<!tpu.dma_semaphore, #tpu.memory_space<semaphore_mem>>)
      tpu.wait_dma2 semaphore(%run_scoped3A_23 : memref<!tpu.dma_semaphore, #tpu.memory_space<semaphore_mem>>) src(%arg7 : memref<16xf32, #tpu.memory_space<hbm>>) dst(%arg17 : memref<16xf32, #tpu.memory_space<vmem>>)
      tpu.yield
    }) : () -> ()
    "tpu.region"() ({
      %run_scoped3A_23 = tpu.sem_alloc : memref<!tpu.dma_semaphore, #tpu.memory_space<semaphore_mem>>
      %dma_start3A = tpu.memref_slice %arg2[%mul3A_2] : memref<337920xi32, #tpu.memory_space<hbm>> -> memref<10240xi32, #tpu.memory_space<hbm>>
      %dma_start3A_24 = tpu.memref_slice %arg2[%mul3A_2] : memref<337920xi32, #tpu.memory_space<hbm>> -> memref<10240xi32, #tpu.memory_space<hbm>>
      tpu.enqueue_dma source(%dma_start3A_24 : memref<10240xi32, #tpu.memory_space<hbm>>) target(%arg13 : memref<10240xi32, #tpu.memory_space<vmem>>) target_semaphore(%run_scoped3A_23 : memref<!tpu.dma_semaphore, #tpu.memory_space<semaphore_mem>>)
      %dma_wait3A = tpu.memref_slice %arg2[%mul3A_2] : memref<337920xi32, #tpu.memory_space<hbm>> -> memref<10240xi32, #tpu.memory_space<hbm>>
      %dma_wait3A_25 = tpu.memref_slice %arg2[%mul3A_2] : memref<337920xi32, #tpu.memory_space<hbm>> -> memref<10240xi32, #tpu.memory_space<hbm>>
      tpu.wait_dma2 semaphore(%run_scoped3A_23 : memref<!tpu.dma_semaphore, #tpu.memory_space<semaphore_mem>>) src(%dma_wait3A_25 : memref<10240xi32, #tpu.memory_space<hbm>>) dst(%arg13 : memref<10240xi32, #tpu.memory_space<vmem>>)
      tpu.yield
    }) : () -> ()
    "tpu.region"() ({
      %run_scoped3A_23 = tpu.sem_alloc : memref<!tpu.dma_semaphore, #tpu.memory_space<semaphore_mem>>
      %dma_start3A = tpu.memref_slice %arg3[%mul3A_2] : memref<337920xi32, #tpu.memory_space<hbm>> -> memref<10240xi32, #tpu.memory_space<hbm>>
      %dma_start3A_24 = tpu.memref_slice %arg3[%mul3A_2] : memref<337920xi32, #tpu.memory_space<hbm>> -> memref<10240xi32, #tpu.memory_space<hbm>>
      tpu.enqueue_dma source(%dma_start3A_24 : memref<10240xi32, #tpu.memory_space<hbm>>) target(%arg14 : memref<10240xi32, #tpu.memory_space<vmem>>) target_semaphore(%run_scoped3A_23 : memref<!tpu.dma_semaphore, #tpu.memory_space<semaphore_mem>>)
      %dma_wait3A = tpu.memref_slice %arg3[%mul3A_2] : memref<337920xi32, #tpu.memory_space<hbm>> -> memref<10240xi32, #tpu.memory_space<hbm>>
      %dma_wait3A_25 = tpu.memref_slice %arg3[%mul3A_2] : memref<337920xi32, #tpu.memory_space<hbm>> -> memref<10240xi32, #tpu.memory_space<hbm>>
      tpu.wait_dma2 semaphore(%run_scoped3A_23 : memref<!tpu.dma_semaphore, #tpu.memory_space<semaphore_mem>>) src(%dma_wait3A_25 : memref<10240xi32, #tpu.memory_space<hbm>>) dst(%arg14 : memref<10240xi32, #tpu.memory_space<vmem>>)
      tpu.yield
    }) : () -> ()
    "tpu.region"() ({
      %run_scoped3A_23 = tpu.sem_alloc : memref<!tpu.dma_semaphore, #tpu.memory_space<semaphore_mem>>
      %dma_start3A = tpu.memref_slice %arg4[%mul3A_2] : memref<337920xf32, #tpu.memory_space<hbm>> -> memref<10240xf32, #tpu.memory_space<hbm>>
      %dma_start3A_24 = tpu.memref_slice %arg4[%mul3A_2] : memref<337920xf32, #tpu.memory_space<hbm>> -> memref<10240xf32, #tpu.memory_space<hbm>>
      tpu.enqueue_dma source(%dma_start3A_24 : memref<10240xf32, #tpu.memory_space<hbm>>) target(%arg15 : memref<10240xf32, #tpu.memory_space<vmem>>) target_semaphore(%run_scoped3A_23 : memref<!tpu.dma_semaphore, #tpu.memory_space<semaphore_mem>>)
      %dma_wait3A = tpu.memref_slice %arg4[%mul3A_2] : memref<337920xf32, #tpu.memory_space<hbm>> -> memref<10240xf32, #tpu.memory_space<hbm>>
      %dma_wait3A_25 = tpu.memref_slice %arg4[%mul3A_2] : memref<337920xf32, #tpu.memory_space<hbm>> -> memref<10240xf32, #tpu.memory_space<hbm>>
      tpu.wait_dma2 semaphore(%run_scoped3A_23 : memref<!tpu.dma_semaphore, #tpu.memory_space<semaphore_mem>>) src(%dma_wait3A_25 : memref<10240xf32, #tpu.memory_space<hbm>>) dst(%arg15 : memref<10240xf32, #tpu.memory_space<vmem>>)
      tpu.yield
    }) : () -> ()
    %get3A = arith.constant 0 : index
    %get3A_3 = tpu.vector_load %arg17[%get3A] {strides = array<i32>} : memref<16xf32, #tpu.memory_space<vmem>>, vector<16xf32>,
    %scan3A = arith.constant 0 : i32
    %scan3A_4 = arith.constant 0 : i32
    %scan3A_5 = arith.constant 640 : i32
    %scan3A_6 = arith.addi %scan3A_4, %scan3A_5 : i32
    %scan3A_7 = arith.constant 1 : i32
    scf.for %scan3A_23 = %scan3A_4 to %scan3A_6 step %scan3A_7  : i32 {
      %broadcast_in_dim3A = arith.constant -1.000000e+30 : f32
      %broadcast_in_dim3A_24 = vector.broadcast %broadcast_in_dim3A : f32 to vector<16xf32>
      %mul3A_25 = arith.constant 16 : i32
      %mul3A_26 = arith.muli %scan3A_23, %mul3A_25 : i32
      %swap3A = arith.index_cast %mul3A_26 : i32 to index
      %swap3A_27 = tpu.vector_load %arg12[%swap3A] {strides = array<i32>} : memref<10240xf32, #tpu.memory_space<vmem>>, vector<16xf32>,
      tpu.vector_store %arg12[%swap3A], %broadcast_in_dim3A_24 {strides = array<i32>} : memref<10240xf32, #tpu.memory_space<vmem>>, vector<16xf32>,
    }
    %scan3A_8 = arith.constant 640 : i32
    %scan3A_9 = arith.constant 0 : i32
    %scan3A_10 = arith.constant 0 : i32
    %scan3A_11 = arith.constant 640 : i32
    %scan3A_12 = arith.addi %scan3A_10, %scan3A_11 : i32
    %scan3A_13 = arith.constant 1 : i32
    scf.for %scan3A_23 = %scan3A_10 to %scan3A_12 step %scan3A_13  : i32 {
      %mul3A_24 = arith.constant 16 : i32
      %mul3A_25 = arith.muli %scan3A_23, %mul3A_24 : i32
      %get3A_26 = arith.index_cast %mul3A_25 : i32 to index
      %get3A_27 = tpu.vector_load %arg13[%get3A_26] {strides = array<i32>} : memref<10240xi32, #tpu.memory_space<vmem>>, vector<16xi32>,
      %get3A_28 = arith.index_cast %mul3A_25 : i32 to index
      %get3A_29 = tpu.vector_load %arg14[%get3A_28] {strides = array<i32>} : memref<10240xi32, #tpu.memory_space<vmem>>, vector<16xi32>,
      %get3A_30 = arith.index_cast %mul3A_25 : i32 to index
      %get3A_31 = tpu.vector_load %arg15[%get3A_30] {strides = array<i32>} : memref<10240xf32, #tpu.memory_space<vmem>>, vector<16xf32>,
      %gather3A = tpu.vector_load_idx %arg10[%get3A_27] : memref<10240xf32, #tpu.memory_space<vmem>>[vector<16xi32>], vector<16xf32>,
      %gather3A_32 = tpu.vector_load_idx %arg11[%get3A_29] : memref<10240xf32, #tpu.memory_space<vmem>>[vector<16xi32>], vector<16xf32>,
      %add3A_33 = arith.addf %gather3A, %gather3A_32 : vector<16xf32>
      %mul3A_34 = arith.mulf %add3A_33, %get3A_31 : vector<16xf32>
      %ge3A = arith.constant 0.000000e+00 : f32
      %ge3A_35 = vector.broadcast %ge3A : f32 to vector<16xf32>
      %ge3A_36 = arith.cmpf oge, %mul3A_34, %ge3A_35 : vector<16xf32>
      %mul3A_37 = arith.constant 0.00999999977 : f32
      %mul3A_38 = vector.broadcast %mul3A_37 : f32 to vector<16xf32>
      %mul3A_39 = arith.mulf %mul3A_38, %mul3A_34 : vector<16xf32>
      %select_n3A = arith.select %ge3A_36, %mul3A_34, %mul3A_39 : vector<16xi1>, vector<16xf32>
      %mul3A_40 = arith.mulf %get3A_3, %select_n3A : vector<16xf32>
      %swap3A = arith.index_cast %mul3A_25 : i32 to index
      %swap3A_41 = tpu.vector_load %arg16[%swap3A] {strides = array<i32>} : memref<10240xf32, #tpu.memory_space<vmem>>, vector<16xf32>,
      tpu.vector_store %arg16[%swap3A], %mul3A_40 {strides = array<i32>} : memref<10240xf32, #tpu.memory_space<vmem>>, vector<16xf32>,
      %scan3A_42 = arith.constant 0 : i32
      %scan3A_43 = arith.constant 0 : i32
      %scan3A_44 = arith.constant 6 : i32
      %scan3A_45 = arith.addi %scan3A_43, %scan3A_44 : i32
      %scan3A_46 = arith.constant 1 : i32
      scf.for %scan3A_48 = %scan3A_43 to %scan3A_45 step %scan3A_46  : i32 {
        %gather3A_49 = tpu.vector_load_idx %arg12[%get3A_29] : memref<10240xf32, #tpu.memory_space<vmem>>[vector<16xi32>], vector<16xf32>,
        %gt3A = arith.cmpf ogt, %mul3A_40, %gather3A_49 : vector<16xf32>
        tpu.vector_store_idx %arg12[%get3A_29], %mul3A_40 masked %gt3A : memref<10240xf32, #tpu.memory_space<vmem>>[vector<16xi32>], vector<16xf32>, vector<16xi1>
      }
      %scan3A_47 = arith.constant 6 : i32
    }
    %scan3A_14 = arith.constant 640 : i32
    "tpu.region"() ({
      %run_scoped3A_23 = tpu.sem_alloc : memref<!tpu.dma_semaphore, #tpu.memory_space<semaphore_mem>>
      %dma_start3A = tpu.memref_slice %arg8[%mul3A_2] : memref<337920xf32, #tpu.memory_space<hbm>> -> memref<10240xf32, #tpu.memory_space<hbm>>
      %dma_start3A_24 = tpu.memref_slice %arg8[%mul3A_2] : memref<337920xf32, #tpu.memory_space<hbm>> -> memref<10240xf32, #tpu.memory_space<hbm>>
      tpu.enqueue_dma source(%arg16 : memref<10240xf32, #tpu.memory_space<vmem>>) target(%dma_start3A_24 : memref<10240xf32, #tpu.memory_space<hbm>>) target_semaphore(%run_scoped3A_23 : memref<!tpu.dma_semaphore, #tpu.memory_space<semaphore_mem>>)
      %dma_wait3A = tpu.memref_slice %arg8[%mul3A_2] : memref<337920xf32, #tpu.memory_space<hbm>> -> memref<10240xf32, #tpu.memory_space<hbm>>
      %dma_wait3A_25 = tpu.memref_slice %arg8[%mul3A_2] : memref<337920xf32, #tpu.memory_space<hbm>> -> memref<10240xf32, #tpu.memory_space<hbm>>
      tpu.wait_dma2 semaphore(%run_scoped3A_23 : memref<!tpu.dma_semaphore, #tpu.memory_space<semaphore_mem>>) src(%arg16 : memref<10240xf32, #tpu.memory_space<vmem>>) dst(%dma_wait3A_25 : memref<10240xf32, #tpu.memory_space<hbm>>)
      tpu.yield
    }) : () -> ()
    "tpu.region"() ({
      %run_scoped3A_23 = tpu.sem_alloc : memref<!tpu.dma_semaphore, #tpu.memory_space<semaphore_mem>>
      %dma_start3A = arith.constant 0 : i32
      %dma_start3A_24 = tpu.memref_slice %arg20[%arg1, %dma_start3A] : memref<16x10240xf32, #tpu.memory_space<vmem_shared>> -> memref<1x10240xf32, #tpu.memory_space<vmem_shared>>
      %dma_start3A_25 = tpu.memref_squeeze %dma_start3A_24 : memref<1x10240xf32, #tpu.memory_space<vmem_shared>> -> memref<10240xf32, #tpu.memory_space<vmem_shared>>
      %dma_start3A_26 = arith.constant 0 : i32
      %dma_start3A_27 = tpu.memref_slice %arg20[%arg1, %dma_start3A_26] : memref<16x10240xf32, #tpu.memory_space<vmem_shared>> -> memref<1x10240xf32, #tpu.memory_space<vmem_shared>>
      %dma_start3A_28 = tpu.memref_squeeze %dma_start3A_27 : memref<1x10240xf32, #tpu.memory_space<vmem_shared>> -> memref<10240xf32, #tpu.memory_space<vmem_shared>>
      tpu.enqueue_dma source(%arg12 : memref<10240xf32, #tpu.memory_space<vmem>>) target(%dma_start3A_28 : memref<10240xf32, #tpu.memory_space<vmem_shared>>) target_semaphore(%run_scoped3A_23 : memref<!tpu.dma_semaphore, #tpu.memory_space<semaphore_mem>>)
      %dma_wait3A = arith.constant 0 : i32
      %dma_wait3A_29 = tpu.memref_slice %arg20[%arg1, %dma_wait3A] : memref<16x10240xf32, #tpu.memory_space<vmem_shared>> -> memref<1x10240xf32, #tpu.memory_space<vmem_shared>>
      %dma_wait3A_30 = tpu.memref_squeeze %dma_wait3A_29 : memref<1x10240xf32, #tpu.memory_space<vmem_shared>> -> memref<10240xf32, #tpu.memory_space<vmem_shared>>
      %dma_wait3A_31 = arith.constant 0 : i32
      %dma_wait3A_32 = tpu.memref_slice %arg20[%arg1, %dma_wait3A_31] : memref<16x10240xf32, #tpu.memory_space<vmem_shared>> -> memref<1x10240xf32, #tpu.memory_space<vmem_shared>>
      %dma_wait3A_33 = tpu.memref_squeeze %dma_wait3A_32 : memref<1x10240xf32, #tpu.memory_space<vmem_shared>> -> memref<10240xf32, #tpu.memory_space<vmem_shared>>
      tpu.wait_dma2 semaphore(%run_scoped3A_23 : memref<!tpu.dma_semaphore, #tpu.memory_space<semaphore_mem>>) src(%arg12 : memref<10240xf32, #tpu.memory_space<vmem>>) dst(%dma_wait3A_33 : memref<10240xf32, #tpu.memory_space<vmem_shared>>)
      tpu.yield
    }) : () -> ()
    %barrier3A = arith.constant 0 : index
    tpu.barrier barrier_id(%barrier3A)
    %mul3A_15 = arith.constant 640 : i32
    %mul3A_16 = arith.muli %arg1, %mul3A_15 : i32
    %run_scoped3A = arith.constant 0 : i32
    "tpu.region"() ({
      %run_scoped3A_23 = tpu.sem_alloc : memref<!tpu.dma_semaphore, #tpu.memory_space<semaphore_mem>>
      %dma_start3A = tpu.memref_slice %arg20[%run_scoped3A, %mul3A_16] : memref<16x10240xf32, #tpu.memory_space<vmem_shared>> -> memref<1x640xf32, #tpu.memory_space<vmem_shared>>
      %dma_start3A_24 = tpu.memref_squeeze %dma_start3A : memref<1x640xf32, #tpu.memory_space<vmem_shared>> -> memref<640xf32, #tpu.memory_space<vmem_shared>>
      %dma_start3A_25 = tpu.memref_slice %arg20[%run_scoped3A, %mul3A_16] : memref<16x10240xf32, #tpu.memory_space<vmem_shared>> -> memref<1x640xf32, #tpu.memory_space<vmem_shared>>
      %dma_start3A_26 = tpu.memref_squeeze %dma_start3A_25 : memref<1x640xf32, #tpu.memory_space<vmem_shared>> -> memref<640xf32, #tpu.memory_space<vmem_shared>>
      tpu.enqueue_dma source(%dma_start3A_26 : memref<640xf32, #tpu.memory_space<vmem_shared>>) target(%arg18 : memref<640xf32, #tpu.memory_space<vmem>>) target_semaphore(%run_scoped3A_23 : memref<!tpu.dma_semaphore, #tpu.memory_space<semaphore_mem>>)
      %dma_wait3A = tpu.memref_slice %arg20[%run_scoped3A, %mul3A_16] : memref<16x10240xf32, #tpu.memory_space<vmem_shared>> -> memref<1x640xf32, #tpu.memory_space<vmem_shared>>
      %dma_wait3A_27 = tpu.memref_squeeze %dma_wait3A : memref<1x640xf32, #tpu.memory_space<vmem_shared>> -> memref<640xf32, #tpu.memory_space<vmem_shared>>
      %dma_wait3A_28 = tpu.memref_slice %arg20[%run_scoped3A, %mul3A_16] : memref<16x10240xf32, #tpu.memory_space<vmem_shared>> -> memref<1x640xf32, #tpu.memory_space<vmem_shared>>
      %dma_wait3A_29 = tpu.memref_squeeze %dma_wait3A_28 : memref<1x640xf32, #tpu.memory_space<vmem_shared>> -> memref<640xf32, #tpu.memory_space<vmem_shared>>
      tpu.wait_dma2 semaphore(%run_scoped3A_23 : memref<!tpu.dma_semaphore, #tpu.memory_space<semaphore_mem>>) src(%dma_wait3A_29 : memref<640xf32, #tpu.memory_space<vmem_shared>>) dst(%arg18 : memref<640xf32, #tpu.memory_space<vmem>>)
      tpu.yield
    }) : () -> ()
    %scan3A_17 = arith.constant 0 : i32
    %scan3A_18 = arith.constant 1 : i32
    %scan3A_19 = arith.constant 15 : i32
    %scan3A_20 = arith.addi %scan3A_18, %scan3A_19 : i32
    %scan3A_21 = arith.constant 1 : i32
    scf.for %scan3A_23 = %scan3A_18 to %scan3A_20 step %scan3A_21  : i32 {
      "tpu.region"() ({
        %run_scoped3A_30 = tpu.sem_alloc : memref<!tpu.dma_semaphore, #tpu.memory_space<semaphore_mem>>
        %dma_start3A = tpu.memref_slice %arg20[%scan3A_23, %mul3A_16] : memref<16x10240xf32, #tpu.memory_space<vmem_shared>> -> memref<1x640xf32, #tpu.memory_space<vmem_shared>>
        %dma_start3A_31 = tpu.memref_squeeze %dma_start3A : memref<1x640xf32, #tpu.memory_space<vmem_shared>> -> memref<640xf32, #tpu.memory_space<vmem_shared>>
        %dma_start3A_32 = tpu.memref_slice %arg20[%scan3A_23, %mul3A_16] : memref<16x10240xf32, #tpu.memory_space<vmem_shared>> -> memref<1x640xf32, #tpu.memory_space<vmem_shared>>
        %dma_start3A_33 = tpu.memref_squeeze %dma_start3A_32 : memref<1x640xf32, #tpu.memory_space<vmem_shared>> -> memref<640xf32, #tpu.memory_space<vmem_shared>>
        tpu.enqueue_dma source(%dma_start3A_33 : memref<640xf32, #tpu.memory_space<vmem_shared>>) target(%arg19 : memref<640xf32, #tpu.memory_space<vmem>>) target_semaphore(%run_scoped3A_30 : memref<!tpu.dma_semaphore, #tpu.memory_space<semaphore_mem>>)
        %dma_wait3A = tpu.memref_slice %arg20[%scan3A_23, %mul3A_16] : memref<16x10240xf32, #tpu.memory_space<vmem_shared>> -> memref<1x640xf32, #tpu.memory_space<vmem_shared>>
        %dma_wait3A_34 = tpu.memref_squeeze %dma_wait3A : memref<1x640xf32, #tpu.memory_space<vmem_shared>> -> memref<640xf32, #tpu.memory_space<vmem_shared>>
        %dma_wait3A_35 = tpu.memref_slice %arg20[%scan3A_23, %mul3A_16] : memref<16x10240xf32, #tpu.memory_space<vmem_shared>> -> memref<1x640xf32, #tpu.memory_space<vmem_shared>>
        %dma_wait3A_36 = tpu.memref_squeeze %dma_wait3A_35 : memref<1x640xf32, #tpu.memory_space<vmem_shared>> -> memref<640xf32, #tpu.memory_space<vmem_shared>>
        tpu.wait_dma2 semaphore(%run_scoped3A_30 : memref<!tpu.dma_semaphore, #tpu.memory_space<semaphore_mem>>) src(%dma_wait3A_36 : memref<640xf32, #tpu.memory_space<vmem_shared>>) dst(%arg19 : memref<640xf32, #tpu.memory_space<vmem>>)
        tpu.yield
      }) : () -> ()
      %scan3A_24 = arith.constant 0 : i32
      %scan3A_25 = arith.constant 0 : i32
      %scan3A_26 = arith.constant 40 : i32
      %scan3A_27 = arith.addi %scan3A_25, %scan3A_26 : i32
      %scan3A_28 = arith.constant 1 : i32
      scf.for %scan3A_30 = %scan3A_25 to %scan3A_27 step %scan3A_28  : i32 {
        %mul3A_31 = arith.constant 16 : i32
        %mul3A_32 = arith.muli %scan3A_30, %mul3A_31 : i32
        %get3A_33 = arith.index_cast %mul3A_32 : i32 to index
        %get3A_34 = tpu.vector_load %arg18[%get3A_33] {strides = array<i32>} : memref<640xf32, #tpu.memory_space<vmem>>, vector<16xf32>,
        %get3A_35 = arith.index_cast %mul3A_32 : i32 to index
        %get3A_36 = tpu.vector_load %arg19[%get3A_35] {strides = array<i32>} : memref<640xf32, #tpu.memory_space<vmem>>, vector<16xf32>,
        %max3A = arith.maximumf %get3A_34, %get3A_36 : vector<16xf32>
        %swap3A = arith.index_cast %mul3A_32 : i32 to index
        %swap3A_37 = tpu.vector_load %arg18[%swap3A] {strides = array<i32>} : memref<640xf32, #tpu.memory_space<vmem>>, vector<16xf32>,
        tpu.vector_store %arg18[%swap3A], %max3A {strides = array<i32>} : memref<640xf32, #tpu.memory_space<vmem>>, vector<16xf32>,
      }
      %scan3A_29 = arith.constant 40 : i32
    }
    %scan3A_22 = arith.constant 15 : i32
    "tpu.region"() ({
      %run_scoped3A_23 = tpu.sem_alloc : memref<!tpu.dma_semaphore, #tpu.memory_space<semaphore_mem>>
      %dma_start3A = tpu.memref_slice %arg9[%arg0, %mul3A_16] : memref<2x10240xf32, #tpu.memory_space<hbm>> -> memref<1x640xf32, #tpu.memory_space<hbm>>
      %dma_start3A_24 = tpu.memref_squeeze %dma_start3A : memref<1x640xf32, #tpu.memory_space<hbm>> -> memref<640xf32, #tpu.memory_space<hbm>>
      %dma_start3A_25 = tpu.memref_slice %arg9[%arg0, %mul3A_16] : memref<2x10240xf32, #tpu.memory_space<hbm>> -> memref<1x640xf32, #tpu.memory_space<hbm>>
      %dma_start3A_26 = tpu.memref_squeeze %dma_start3A_25 : memref<1x640xf32, #tpu.memory_space<hbm>> -> memref<640xf32, #tpu.memory_space<hbm>>
      tpu.enqueue_dma source(%arg18 : memref<640xf32, #tpu.memory_space<vmem>>) target(%dma_start3A_26 : memref<640xf32, #tpu.memory_space<hbm>>) target_semaphore(%run_scoped3A_23 : memref<!tpu.dma_semaphore, #tpu.memory_space<semaphore_mem>>)
      %dma_wait3A = tpu.memref_slice %arg9[%arg0, %mul3A_16] : memref<2x10240xf32, #tpu.memory_space<hbm>> -> memref<1x640xf32, #tpu.memory_space<hbm>>
      %dma_wait3A_27 = tpu.memref_squeeze %dma_wait3A : memref<1x640xf32, #tpu.memory_space<hbm>> -> memref<640xf32, #tpu.memory_space<hbm>>
      %dma_wait3A_28 = tpu.memref_slice %arg9[%arg0, %mul3A_16] : memref<2x10240xf32, #tpu.memory_space<hbm>> -> memref<1x640xf32, #tpu.memory_space<hbm>>
      %dma_wait3A_29 = tpu.memref_squeeze %dma_wait3A_28 : memref<1x640xf32, #tpu.memory_space<hbm>> -> memref<640xf32, #tpu.memory_space<hbm>>
      tpu.wait_dma2 semaphore(%run_scoped3A_23 : memref<!tpu.dma_semaphore, #tpu.memory_space<semaphore_mem>>) src(%arg18 : memref<640xf32, #tpu.memory_space<vmem>>) dst(%dma_wait3A_29 : memref<640xf32, #tpu.memory_space<hbm>>)
      tpu.yield
    }) : () -> ()
    return
  }
}

#map = affine_map<(d0, d1) -> (0)>
#map1 = affine_map<(d0, d1) -> (0, 0)>
#map2 = affine_map<(d0, d1) -> (0, 0, 0)>
module attributes {stable_mosaic.version = 14 : i64} {
  func.func @_sc_agg_body(%arg0: i32, %arg1: i32, %arg2: memref<337920xi32, #tpu.memory_space<hbm>>, %arg3: memref<5280x64xi32, #tpu.memory_space<hbm>>, %arg4: memref<337920xf32, #tpu.memory_space<hbm>>, %arg5: memref<2x10240xf32, #tpu.memory_space<hbm>>, %arg6: memref<10240x128xf32, #tpu.memory_space<hbm>>, %arg7: memref<2x10240x128xf32, #tpu.memory_space<hbm>>, %arg8: memref<2x10240xf32, #tpu.memory_space<hbm>>, %arg9: memref<10240xf32, #tpu.memory_space<vmem>>, %arg10: memref<2560xi32, #tpu.memory_space<vmem>>, %arg11: memref<2560xf32, #tpu.memory_space<vmem>>, %arg12: memref<40x64xi32, #tpu.memory_space<vmem>>, %arg13: memref<64xf32, #tpu.memory_space<vmem>>, %arg14: memref<64xf32, #tpu.memory_space<vmem>>, %arg15: memref<64xi32, #tpu.memory_space<vmem>>, %arg16: memref<64xi32, #tpu.memory_space<vmem>>, %arg17: memref<64x128xf32, #tpu.memory_space<vmem>>, %arg18: memref<64x128xf32, #tpu.memory_space<vmem>>, %arg19: memref<640xf32, #tpu.memory_space<vmem>>, %arg20: memref<10240x128xf32, #tpu.memory_space<vmem_shared>>, %arg21: memref<10240xf32, #tpu.memory_space<vmem_shared>>, %arg22: memref<!tpu.dma_semaphore, #tpu.memory_space<semaphore_mem>>, %arg23: memref<!tpu.dma_semaphore, #tpu.memory_space<semaphore_mem>>) attributes {dimension_semantics = [#tpu.dimension_semantics<core_parallel>, #tpu.dimension_semantics<subcore_parallel>], iteration_bounds = array<i64: 2, 16>, scalar_prefetch = 0 : i64, scratch_operands = 15 : i64, tpu.core_type = #tpu.core_type<sc_vector_subcore>, window_params = [{transform_indices = #map}, {transform_indices = #map1}, {transform_indices = #map}, {transform_indices = #map1}, {transform_indices = #map1}, {transform_indices = #map2}, {transform_indices = #map1}]} {
    %eq3A = arith.constant 0 : i32
    %eq3A_0 = arith.cmpi eq, %arg0, %eq3A : i32
    %mul3A = arith.constant 15360 : i32
    %mul3A_1 = arith.muli %arg1, %mul3A : i32
    %mul3A_2 = arith.constant 5120 : i32
    %mul3A_3 = arith.muli %arg1, %mul3A_2 : i32
    %add3A = arith.constant 245760 : i32
    %add3A_4 = arith.addi %add3A, %mul3A_3 : i32
    %select_n3A = arith.select %eq3A_0, %mul3A_1, %add3A_4 : i32
    %eq3A_5 = arith.constant 0 : i32
    %eq3A_6 = arith.cmpi eq, %arg0, %eq3A_5 : i32
    %jit3A = arith.constant 6 : i32
    %jit3A_7 = arith.constant 2 : i32
    %select_n3A_8 = arith.select %eq3A_6, %jit3A, %jit3A_7 : i32
    %run_scoped3A = arith.constant 0 : i32
    "tpu.region"() ({
      %run_scoped3A_46 = tpu.sem_alloc : memref<!tpu.dma_semaphore, #tpu.memory_space<semaphore_mem>>
      %dma_start3A = arith.constant 0 : i32
      %dma_start3A_47 = tpu.memref_slice %arg5[%run_scoped3A, %dma_start3A] : memref<2x10240xf32, #tpu.memory_space<hbm>> -> memref<1x10240xf32, #tpu.memory_space<hbm>>
      %dma_start3A_48 = tpu.memref_squeeze %dma_start3A_47 : memref<1x10240xf32, #tpu.memory_space<hbm>> -> memref<10240xf32, #tpu.memory_space<hbm>>
      %dma_start3A_49 = arith.constant 0 : i32
      %dma_start3A_50 = tpu.memref_slice %arg5[%run_scoped3A, %dma_start3A_49] : memref<2x10240xf32, #tpu.memory_space<hbm>> -> memref<1x10240xf32, #tpu.memory_space<hbm>>
      %dma_start3A_51 = tpu.memref_squeeze %dma_start3A_50 : memref<1x10240xf32, #tpu.memory_space<hbm>> -> memref<10240xf32, #tpu.memory_space<hbm>>
      tpu.enqueue_dma source(%dma_start3A_51 : memref<10240xf32, #tpu.memory_space<hbm>>) target(%arg9 : memref<10240xf32, #tpu.memory_space<vmem>>) target_semaphore(%run_scoped3A_46 : memref<!tpu.dma_semaphore, #tpu.memory_space<semaphore_mem>>)
      %dma_wait3A = arith.constant 0 : i32
      %dma_wait3A_52 = tpu.memref_slice %arg5[%run_scoped3A, %dma_wait3A] : memref<2x10240xf32, #tpu.memory_space<hbm>> -> memref<1x10240xf32, #tpu.memory_space<hbm>>
      %dma_wait3A_53 = tpu.memref_squeeze %dma_wait3A_52 : memref<1x10240xf32, #tpu.memory_space<hbm>> -> memref<10240xf32, #tpu.memory_space<hbm>>
      %dma_wait3A_54 = arith.constant 0 : i32
      %dma_wait3A_55 = tpu.memref_slice %arg5[%run_scoped3A, %dma_wait3A_54] : memref<2x10240xf32, #tpu.memory_space<hbm>> -> memref<1x10240xf32, #tpu.memory_space<hbm>>
      %dma_wait3A_56 = tpu.memref_squeeze %dma_wait3A_55 : memref<1x10240xf32, #tpu.memory_space<hbm>> -> memref<10240xf32, #tpu.memory_space<hbm>>
      tpu.wait_dma2 semaphore(%run_scoped3A_46 : memref<!tpu.dma_semaphore, #tpu.memory_space<semaphore_mem>>) src(%dma_wait3A_56 : memref<10240xf32, #tpu.memory_space<hbm>>) dst(%arg9 : memref<10240xf32, #tpu.memory_space<vmem>>)
      tpu.yield
    }) : () -> ()
    %scan3A = arith.constant 0 : i32
    %scan3A_9 = arith.constant 0 : i32
    %scan3A_10 = arith.constant 4 : i32
    %scan3A_11 = arith.addi %scan3A_9, %scan3A_10 : i32
    %scan3A_12 = arith.constant 1 : i32
    scf.for %scan3A_46 = %scan3A_9 to %scan3A_11 step %scan3A_12  : i32 {
      %mul3A_47 = arith.constant 2560 : i32
      %mul3A_48 = arith.muli %scan3A_46, %mul3A_47 : i32
      %run_scoped3A_49 = arith.constant 1 : i32
      "tpu.region"() ({
        %run_scoped3A_56 = tpu.sem_alloc : memref<!tpu.dma_semaphore, #tpu.memory_space<semaphore_mem>>
        %dma_start3A = tpu.memref_slice %arg5[%run_scoped3A_49, %mul3A_48] : memref<2x10240xf32, #tpu.memory_space<hbm>> -> memref<1x2560xf32, #tpu.memory_space<hbm>>
        %dma_start3A_57 = tpu.memref_squeeze %dma_start3A : memref<1x2560xf32, #tpu.memory_space<hbm>> -> memref<2560xf32, #tpu.memory_space<hbm>>
        %dma_start3A_58 = tpu.memref_slice %arg5[%run_scoped3A_49, %mul3A_48] : memref<2x10240xf32, #tpu.memory_space<hbm>> -> memref<1x2560xf32, #tpu.memory_space<hbm>>
        %dma_start3A_59 = tpu.memref_squeeze %dma_start3A_58 : memref<1x2560xf32, #tpu.memory_space<hbm>> -> memref<2560xf32, #tpu.memory_space<hbm>>
        tpu.enqueue_dma source(%dma_start3A_59 : memref<2560xf32, #tpu.memory_space<hbm>>) target(%arg11 : memref<2560xf32, #tpu.memory_space<vmem>>) target_semaphore(%run_scoped3A_56 : memref<!tpu.dma_semaphore, #tpu.memory_space<semaphore_mem>>)
        %dma_wait3A = tpu.memref_slice %arg5[%run_scoped3A_49, %mul3A_48] : memref<2x10240xf32, #tpu.memory_space<hbm>> -> memref<1x2560xf32, #tpu.memory_space<hbm>>
        %dma_wait3A_60 = tpu.memref_squeeze %dma_wait3A : memref<1x2560xf32, #tpu.memory_space<hbm>> -> memref<2560xf32, #tpu.memory_space<hbm>>
        %dma_wait3A_61 = tpu.memref_slice %arg5[%run_scoped3A_49, %mul3A_48] : memref<2x10240xf32, #tpu.memory_space<hbm>> -> memref<1x2560xf32, #tpu.memory_space<hbm>>
        %dma_wait3A_62 = tpu.memref_squeeze %dma_wait3A_61 : memref<1x2560xf32, #tpu.memory_space<hbm>> -> memref<2560xf32, #tpu.memory_space<hbm>>
        tpu.wait_dma2 semaphore(%run_scoped3A_56 : memref<!tpu.dma_semaphore, #tpu.memory_space<semaphore_mem>>) src(%dma_wait3A_62 : memref<2560xf32, #tpu.memory_space<hbm>>) dst(%arg11 : memref<2560xf32, #tpu.memory_space<vmem>>)
        tpu.yield
      }) : () -> ()
      %scan3A_50 = arith.constant 0 : i32
      %scan3A_51 = arith.constant 0 : i32
      %scan3A_52 = arith.constant 160 : i32
      %scan3A_53 = arith.addi %scan3A_51, %scan3A_52 : i32
      %scan3A_54 = arith.constant 1 : i32
      scf.for %scan3A_56 = %scan3A_51 to %scan3A_53 step %scan3A_54  : i32 {
        %mul3A_57 = arith.constant 2560 : i32
        %mul3A_58 = arith.muli %scan3A_46, %mul3A_57 : i32
        %mul3A_59 = arith.constant 16 : i32
        %mul3A_60 = arith.muli %scan3A_56, %mul3A_59 : i32
        %add3A_61 = arith.addi %mul3A_58, %mul3A_60 : i32
        %get3A = arith.index_cast %add3A_61 : i32 to index
        %get3A_62 = tpu.vector_load %arg9[%get3A] {strides = array<i32>} : memref<10240xf32, #tpu.memory_space<vmem>>, vector<16xf32>,
        %mul3A_63 = arith.constant 16 : i32
        %mul3A_64 = arith.muli %scan3A_56, %mul3A_63 : i32
        %get3A_65 = arith.index_cast %mul3A_64 : i32 to index
        %get3A_66 = tpu.vector_load %arg11[%get3A_65] {strides = array<i32>} : memref<2560xf32, #tpu.memory_space<vmem>>, vector<16xf32>,
        %max3A = arith.maximumf %get3A_62, %get3A_66 : vector<16xf32>
        %mul3A_67 = arith.constant 2560 : i32
        %mul3A_68 = arith.muli %scan3A_46, %mul3A_67 : i32
        %mul3A_69 = arith.constant 16 : i32
        %mul3A_70 = arith.muli %scan3A_56, %mul3A_69 : i32
        %add3A_71 = arith.addi %mul3A_68, %mul3A_70 : i32
        %swap3A = arith.index_cast %add3A_71 : i32 to index
        %swap3A_72 = tpu.vector_load %arg9[%swap3A] {strides = array<i32>} : memref<10240xf32, #tpu.memory_space<vmem>>, vector<16xf32>,
        tpu.vector_store %arg9[%swap3A], %max3A {strides = array<i32>} : memref<10240xf32, #tpu.memory_space<vmem>>, vector<16xf32>,
      }
      %scan3A_55 = arith.constant 160 : i32
    }
    %scan3A_13 = arith.constant 4 : i32
    %scan3A_14 = arith.constant 0 : i32
    %scan3A_15 = arith.constant 0 : i32
    %scan3A_16 = arith.constant 64 : i32
    %scan3A_17 = arith.addi %scan3A_15, %scan3A_16 : i32
    %scan3A_18 = arith.constant 1 : i32
    scf.for %scan3A_46 = %scan3A_15 to %scan3A_17 step %scan3A_18  : i32 {
      %broadcast_in_dim3A = arith.constant 0.000000e+00 : f32
      %broadcast_in_dim3A_47 = vector.broadcast %broadcast_in_dim3A : f32 to vector<16xf32>
      %swap3A = arith.index_cast %scan3A_46 : i32 to index
      %swap3A_48 = arith.constant 0 : index
      %swap3A_49 = tpu.vector_load %arg17[%swap3A, %swap3A_48] {strides = array<i32>} : memref<64x128xf32, #tpu.memory_space<vmem>>, vector<16xf32>,
      tpu.vector_store %arg17[%swap3A, %swap3A_48], %broadcast_in_dim3A_47 {strides = array<i32>} : memref<64x128xf32, #tpu.memory_space<vmem>>, vector<16xf32>,
      %broadcast_in_dim3A_50 = arith.constant 0.000000e+00 : f32
      %broadcast_in_dim3A_51 = vector.broadcast %broadcast_in_dim3A_50 : f32 to vector<16xf32>
      %swap3A_52 = arith.index_cast %scan3A_46 : i32 to index
      %swap3A_53 = arith.constant 16 : index
      %swap3A_54 = tpu.vector_load %arg17[%swap3A_52, %swap3A_53] {strides = array<i32>} : memref<64x128xf32, #tpu.memory_space<vmem>>, vector<16xf32>,
      tpu.vector_store %arg17[%swap3A_52, %swap3A_53], %broadcast_in_dim3A_51 {strides = array<i32>} : memref<64x128xf32, #tpu.memory_space<vmem>>, vector<16xf32>,
      %broadcast_in_dim3A_55 = arith.constant 0.000000e+00 : f32
      %broadcast_in_dim3A_56 = vector.broadcast %broadcast_in_dim3A_55 : f32 to vector<16xf32>
      %swap3A_57 = arith.index_cast %scan3A_46 : i32 to index
      %swap3A_58 = arith.constant 32 : index
      %swap3A_59 = tpu.vector_load %arg17[%swap3A_57, %swap3A_58] {strides = array<i32>} : memref<64x128xf32, #tpu.memory_space<vmem>>, vector<16xf32>,
      tpu.vector_store %arg17[%swap3A_57, %swap3A_58], %broadcast_in_dim3A_56 {strides = array<i32>} : memref<64x128xf32, #tpu.memory_space<vmem>>, vector<16xf32>,
      %broadcast_in_dim3A_60 = arith.constant 0.000000e+00 : f32
      %broadcast_in_dim3A_61 = vector.broadcast %broadcast_in_dim3A_60 : f32 to vector<16xf32>
      %swap3A_62 = arith.index_cast %scan3A_46 : i32 to index
      %swap3A_63 = arith.constant 48 : index
      %swap3A_64 = tpu.vector_load %arg17[%swap3A_62, %swap3A_63] {strides = array<i32>} : memref<64x128xf32, #tpu.memory_space<vmem>>, vector<16xf32>,
      tpu.vector_store %arg17[%swap3A_62, %swap3A_63], %broadcast_in_dim3A_61 {strides = array<i32>} : memref<64x128xf32, #tpu.memory_space<vmem>>, vector<16xf32>,
      %broadcast_in_dim3A_65 = arith.constant 0.000000e+00 : f32
      %broadcast_in_dim3A_66 = vector.broadcast %broadcast_in_dim3A_65 : f32 to vector<16xf32>
      %swap3A_67 = arith.index_cast %scan3A_46 : i32 to index
      %swap3A_68 = arith.constant 64 : index
      %swap3A_69 = tpu.vector_load %arg17[%swap3A_67, %swap3A_68] {strides = array<i32>} : memref<64x128xf32, #tpu.memory_space<vmem>>, vector<16xf32>,
      tpu.vector_store %arg17[%swap3A_67, %swap3A_68], %broadcast_in_dim3A_66 {strides = array<i32>} : memref<64x128xf32, #tpu.memory_space<vmem>>, vector<16xf32>,
      %broadcast_in_dim3A_70 = arith.constant 0.000000e+00 : f32
      %broadcast_in_dim3A_71 = vector.broadcast %broadcast_in_dim3A_70 : f32 to vector<16xf32>
      %swap3A_72 = arith.index_cast %scan3A_46 : i32 to index
      %swap3A_73 = arith.constant 80 : index
      %swap3A_74 = tpu.vector_load %arg17[%swap3A_72, %swap3A_73] {strides = array<i32>} : memref<64x128xf32, #tpu.memory_space<vmem>>, vector<16xf32>,
      tpu.vector_store %arg17[%swap3A_72, %swap3A_73], %broadcast_in_dim3A_71 {strides = array<i32>} : memref<64x128xf32, #tpu.memory_space<vmem>>, vector<16xf32>,
      %broadcast_in_dim3A_75 = arith.constant 0.000000e+00 : f32
      %broadcast_in_dim3A_76 = vector.broadcast %broadcast_in_dim3A_75 : f32 to vector<16xf32>
      %swap3A_77 = arith.index_cast %scan3A_46 : i32 to index
      %swap3A_78 = arith.constant 96 : index
      %swap3A_79 = tpu.vector_load %arg17[%swap3A_77, %swap3A_78] {strides = array<i32>} : memref<64x128xf32, #tpu.memory_space<vmem>>, vector<16xf32>,
      tpu.vector_store %arg17[%swap3A_77, %swap3A_78], %broadcast_in_dim3A_76 {strides = array<i32>} : memref<64x128xf32, #tpu.memory_space<vmem>>, vector<16xf32>,
      %broadcast_in_dim3A_80 = arith.constant 0.000000e+00 : f32
      %broadcast_in_dim3A_81 = vector.broadcast %broadcast_in_dim3A_80 : f32 to vector<16xf32>
      %swap3A_82 = arith.index_cast %scan3A_46 : i32 to index
      %swap3A_83 = arith.constant 112 : index
      %swap3A_84 = tpu.vector_load %arg17[%swap3A_82, %swap3A_83] {strides = array<i32>} : memref<64x128xf32, #tpu.memory_space<vmem>>, vector<16xf32>,
      tpu.vector_store %arg17[%swap3A_82, %swap3A_83], %broadcast_in_dim3A_81 {strides = array<i32>} : memref<64x128xf32, #tpu.memory_space<vmem>>, vector<16xf32>,
    }
    %scan3A_19 = arith.constant 64 : i32
    %scan3A_20 = arith.constant 0 : i32
    %scan3A_21 = arith.constant 0 : i32
    %scan3A_22 = arith.constant 40 : i32
    %scan3A_23 = arith.addi %scan3A_21, %scan3A_22 : i32
    %scan3A_24 = arith.constant 1 : i32
    scf.for %scan3A_46 = %scan3A_21 to %scan3A_23 step %scan3A_24  : i32 {
      %broadcast_in_dim3A = arith.constant 0.000000e+00 : f32
      %broadcast_in_dim3A_47 = vector.broadcast %broadcast_in_dim3A : f32 to vector<16xf32>
      %mul3A_48 = arith.constant 16 : i32
      %mul3A_49 = arith.muli %scan3A_46, %mul3A_48 : i32
      %swap3A = arith.index_cast %mul3A_49 : i32 to index
      %swap3A_50 = tpu.vector_load %arg19[%swap3A] {strides = array<i32>} : memref<640xf32, #tpu.memory_space<vmem>>, vector<16xf32>,
      tpu.vector_store %arg19[%swap3A], %broadcast_in_dim3A_47 {strides = array<i32>} : memref<640xf32, #tpu.memory_space<vmem>>, vector<16xf32>,
    }
    %scan3A_25 = arith.constant 40 : i32
    %scan3A_26 = arith.constant 0 : i32
    %scan3A_27 = arith.constant 0 : i32
    %scan3A_28 = arith.constant 10 : i32
    %scan3A_29 = arith.addi %scan3A_27, %scan3A_28 : i32
    %scan3A_30 = arith.constant 1 : i32
    scf.for %scan3A_46 = %scan3A_27 to %scan3A_29 step %scan3A_30  : i32 {
      %mul3A_47 = arith.constant 640 : i32
      %mul3A_48 = arith.muli %arg1, %mul3A_47 : i32
      %mul3A_49 = arith.constant 64 : i32
      %mul3A_50 = arith.muli %scan3A_46, %mul3A_49 : i32
      %add3A_51 = arith.addi %mul3A_48, %mul3A_50 : i32
      "tpu.region"() ({
        %run_scoped3A_52 = tpu.sem_alloc : memref<!tpu.dma_semaphore, #tpu.memory_space<semaphore_mem>>
        %dma_start3A = arith.constant 0 : i32
        %dma_start3A_53 = tpu.memref_slice %arg20[%add3A_51, %dma_start3A] : memref<10240x128xf32, #tpu.memory_space<vmem_shared>> -> memref<64x128xf32, #tpu.memory_space<vmem_shared>>
        %dma_start3A_54 = arith.constant 0 : i32
        %dma_start3A_55 = tpu.memref_slice %arg20[%add3A_51, %dma_start3A_54] : memref<10240x128xf32, #tpu.memory_space<vmem_shared>> -> memref<64x128xf32, #tpu.memory_space<vmem_shared>>
        tpu.enqueue_dma source(%arg17 : memref<64x128xf32, #tpu.memory_space<vmem>>) target(%dma_start3A_55 : memref<64x128xf32, #tpu.memory_space<vmem_shared>>) target_semaphore(%run_scoped3A_52 : memref<!tpu.dma_semaphore, #tpu.memory_space<semaphore_mem>>)
        %dma_wait3A = arith.constant 0 : i32
        %dma_wait3A_56 = tpu.memref_slice %arg20[%add3A_51, %dma_wait3A] : memref<10240x128xf32, #tpu.memory_space<vmem_shared>> -> memref<64x128xf32, #tpu.memory_space<vmem_shared>>
        %dma_wait3A_57 = arith.constant 0 : i32
        %dma_wait3A_58 = tpu.memref_slice %arg20[%add3A_51, %dma_wait3A_57] : memref<10240x128xf32, #tpu.memory_space<vmem_shared>> -> memref<64x128xf32, #tpu.memory_space<vmem_shared>>
        tpu.wait_dma2 semaphore(%run_scoped3A_52 : memref<!tpu.dma_semaphore, #tpu.memory_space<semaphore_mem>>) src(%arg17 : memref<64x128xf32, #tpu.memory_space<vmem>>) dst(%dma_wait3A_58 : memref<64x128xf32, #tpu.memory_space<vmem_shared>>)
        tpu.yield
      }) : () -> ()
    }
    %scan3A_31 = arith.constant 10 : i32
    %mul3A_32 = arith.constant 640 : i32
    %mul3A_33 = arith.muli %arg1, %mul3A_32 : i32
    "tpu.region"() ({
      %run_scoped3A_46 = tpu.sem_alloc : memref<!tpu.dma_semaphore, #tpu.memory_space<semaphore_mem>>
      %dma_start3A = tpu.memref_slice %arg21[%mul3A_33] : memref<10240xf32, #tpu.memory_space<vmem_shared>> -> memref<640xf32, #tpu.memory_space<vmem_shared>>
      %dma_start3A_47 = tpu.memref_slice %arg21[%mul3A_33] : memref<10240xf32, #tpu.memory_space<vmem_shared>> -> memref<640xf32, #tpu.memory_space<vmem_shared>>
      tpu.enqueue_dma source(%arg19 : memref<640xf32, #tpu.memory_space<vmem>>) target(%dma_start3A_47 : memref<640xf32, #tpu.memory_space<vmem_shared>>) target_semaphore(%run_scoped3A_46 : memref<!tpu.dma_semaphore, #tpu.memory_space<semaphore_mem>>)
      %dma_wait3A = tpu.memref_slice %arg21[%mul3A_33] : memref<10240xf32, #tpu.memory_space<vmem_shared>> -> memref<640xf32, #tpu.memory_space<vmem_shared>>
      %dma_wait3A_48 = tpu.memref_slice %arg21[%mul3A_33] : memref<10240xf32, #tpu.memory_space<vmem_shared>> -> memref<640xf32, #tpu.memory_space<vmem_shared>>
      tpu.wait_dma2 semaphore(%run_scoped3A_46 : memref<!tpu.dma_semaphore, #tpu.memory_space<semaphore_mem>>) src(%arg19 : memref<640xf32, #tpu.memory_space<vmem>>) dst(%dma_wait3A_48 : memref<640xf32, #tpu.memory_space<vmem_shared>>)
      tpu.yield
    }) : () -> ()
    %barrier3A = arith.constant 0 : index
    tpu.barrier barrier_id(%barrier3A)
    %while3A = arith.constant 0 : i32
    %while3A_34 = arith.constant 0 : i32
    %while3A_35 = arith.subi %select_n3A_8, %while3A_34 : i32
    %while3A_36 = arith.addi %while3A_34, %while3A_35 : i32
    %while3A_37 = arith.constant 1 : i32
    %while3A_38 = arith.divsi %while3A_35, %while3A_37 : i32
    %while3A_39 = arith.muli %while3A_38, %while3A_37 : i32
    %while3A_40 = arith.addi %while3A_34, %while3A_39 : i32
    %while3A_41 = arith.constant 1 : i32
    scf.for %while3A_46 = %while3A_34 to %while3A_40 step %while3A_41  : i32 {
      %mul3A_47 = arith.constant 2560 : i32
      %mul3A_48 = arith.muli %while3A_46, %mul3A_47 : i32
      %add3A_49 = arith.addi %select_n3A, %mul3A_48 : i32
      %multiple_of3A = tpu.assume_multiple %add3A_49, 2560 : i32
      %jit3A_50 = arith.constant 64 : i32
      %div3A = arith.divsi %multiple_of3A, %jit3A_50 : i32
      %sign3A = arith.constant 0 : i32
      %sign3A_51 = arith.cmpi sgt, %multiple_of3A, %sign3A : i32
      %sign3A_52 = arith.extui %sign3A_51 : i1 to i32
      %sign3A_53 = arith.constant 0 : i32
      %sign3A_54 = arith.cmpi slt, %multiple_of3A, %sign3A_53 : i32
      %sign3A_55 = arith.extui %sign3A_54 : i1 to i32
      %sign3A_56 = arith.subi %sign3A_52, %sign3A_55 : i32
      %sign3A_57 = arith.constant 0 : i32
      %sign3A_58 = arith.cmpi sgt, %jit3A_50, %sign3A_57 : i32
      %sign3A_59 = arith.extui %sign3A_58 : i1 to i32
      %sign3A_60 = arith.constant 0 : i32
      %sign3A_61 = arith.cmpi slt, %jit3A_50, %sign3A_60 : i32
      %sign3A_62 = arith.extui %sign3A_61 : i1 to i32
      %sign3A_63 = arith.subi %sign3A_59, %sign3A_62 : i32
      %ne3A = arith.cmpi ne, %sign3A_56, %sign3A_63 : i32
      %rem3A = arith.remsi %multiple_of3A, %jit3A_50 : i32
      %ne3A_64 = arith.constant 0 : i32
      %ne3A_65 = arith.cmpi ne, %rem3A, %ne3A_64 : i32
      %and3A = arith.andi %ne3A, %ne3A_65 : i1
      %sub3A = arith.constant 1 : i32
      %sub3A_66 = arith.subi %div3A, %sub3A : i32
      %select_n3A_67 = arith.select %and3A, %sub3A_66, %div3A : i32
      %multiple_of3A_68 = tpu.assume_multiple %select_n3A_67, 40 : i32
      "tpu.region"() ({
        %run_scoped3A_84 = tpu.sem_alloc : memref<!tpu.dma_semaphore, #tpu.memory_space<semaphore_mem>>
        %dma_start3A_85 = tpu.memref_slice %arg2[%multiple_of3A] : memref<337920xi32, #tpu.memory_space<hbm>> -> memref<2560xi32, #tpu.memory_space<hbm>>
        %dma_start3A_86 = tpu.memref_slice %arg2[%multiple_of3A] : memref<337920xi32, #tpu.memory_space<hbm>> -> memref<2560xi32, #tpu.memory_space<hbm>>
        tpu.enqueue_dma source(%dma_start3A_86 : memref<2560xi32, #tpu.memory_space<hbm>>) target(%arg10 : memref<2560xi32, #tpu.memory_space<vmem>>) target_semaphore(%run_scoped3A_84 : memref<!tpu.dma_semaphore, #tpu.memory_space<semaphore_mem>>)
        %dma_wait3A = tpu.memref_slice %arg2[%multiple_of3A] : memref<337920xi32, #tpu.memory_space<hbm>> -> memref<2560xi32, #tpu.memory_space<hbm>>
        %dma_wait3A_87 = tpu.memref_slice %arg2[%multiple_of3A] : memref<337920xi32, #tpu.memory_space<hbm>> -> memref<2560xi32, #tpu.memory_space<hbm>>
        tpu.wait_dma2 semaphore(%run_scoped3A_84 : memref<!tpu.dma_semaphore, #tpu.memory_space<semaphore_mem>>) src(%dma_wait3A_87 : memref<2560xi32, #tpu.memory_space<hbm>>) dst(%arg10 : memref<2560xi32, #tpu.memory_space<vmem>>)
        tpu.yield
      }) : () -> ()
      "tpu.region"() ({
        %run_scoped3A_84 = tpu.sem_alloc : memref<!tpu.dma_semaphore, #tpu.memory_space<semaphore_mem>>
        %dma_start3A_85 = tpu.memref_slice %arg4[%multiple_of3A] : memref<337920xf32, #tpu.memory_space<hbm>> -> memref<2560xf32, #tpu.memory_space<hbm>>
        %dma_start3A_86 = tpu.memref_slice %arg4[%multiple_of3A] : memref<337920xf32, #tpu.memory_space<hbm>> -> memref<2560xf32, #tpu.memory_space<hbm>>
        tpu.enqueue_dma source(%dma_start3A_86 : memref<2560xf32, #tpu.memory_space<hbm>>) target(%arg11 : memref<2560xf32, #tpu.memory_space<vmem>>) target_semaphore(%run_scoped3A_84 : memref<!tpu.dma_semaphore, #tpu.memory_space<semaphore_mem>>)
        %dma_wait3A = tpu.memref_slice %arg4[%multiple_of3A] : memref<337920xf32, #tpu.memory_space<hbm>> -> memref<2560xf32, #tpu.memory_space<hbm>>
        %dma_wait3A_87 = tpu.memref_slice %arg4[%multiple_of3A] : memref<337920xf32, #tpu.memory_space<hbm>> -> memref<2560xf32, #tpu.memory_space<hbm>>
        tpu.wait_dma2 semaphore(%run_scoped3A_84 : memref<!tpu.dma_semaphore, #tpu.memory_space<semaphore_mem>>) src(%dma_wait3A_87 : memref<2560xf32, #tpu.memory_space<hbm>>) dst(%arg11 : memref<2560xf32, #tpu.memory_space<vmem>>)
        tpu.yield
      }) : () -> ()
      "tpu.region"() ({
        %run_scoped3A_84 = tpu.sem_alloc : memref<!tpu.dma_semaphore, #tpu.memory_space<semaphore_mem>>
        %dma_start3A_85 = arith.constant 0 : i32
        %dma_start3A_86 = tpu.memref_slice %arg3[%multiple_of3A_68, %dma_start3A_85] : memref<5280x64xi32, #tpu.memory_space<hbm>> -> memref<40x64xi32, #tpu.memory_space<hbm>>
        %dma_start3A_87 = arith.constant 0 : i32
        %dma_start3A_88 = tpu.memref_slice %arg3[%multiple_of3A_68, %dma_start3A_87] : memref<5280x64xi32, #tpu.memory_space<hbm>> -> memref<40x64xi32, #tpu.memory_space<hbm>>
        tpu.enqueue_dma source(%dma_start3A_88 : memref<40x64xi32, #tpu.memory_space<hbm>>) target(%arg12 : memref<40x64xi32, #tpu.memory_space<vmem>>) target_semaphore(%run_scoped3A_84 : memref<!tpu.dma_semaphore, #tpu.memory_space<semaphore_mem>>)
        %dma_wait3A = arith.constant 0 : i32
        %dma_wait3A_89 = tpu.memref_slice %arg3[%multiple_of3A_68, %dma_wait3A] : memref<5280x64xi32, #tpu.memory_space<hbm>> -> memref<40x64xi32, #tpu.memory_space<hbm>>
        %dma_wait3A_90 = arith.constant 0 : i32
        %dma_wait3A_91 = tpu.memref_slice %arg3[%multiple_of3A_68, %dma_wait3A_90] : memref<5280x64xi32, #tpu.memory_space<hbm>> -> memref<40x64xi32, #tpu.memory_space<hbm>>
        tpu.wait_dma2 semaphore(%run_scoped3A_84 : memref<!tpu.dma_semaphore, #tpu.memory_space<semaphore_mem>>) src(%dma_wait3A_91 : memref<40x64xi32, #tpu.memory_space<hbm>>) dst(%arg12 : memref<40x64xi32, #tpu.memory_space<vmem>>)
        tpu.yield
      }) : () -> ()
      %dma_start3A = arith.constant 0 : i32
      %dma_start3A_69 = tpu.memref_slice %arg10[%dma_start3A] : memref<2560xi32, #tpu.memory_space<vmem>> -> memref<64xi32, #tpu.memory_space<vmem>>
      %dma_start3A_70 = arith.constant 0 : i32
      %dma_start3A_71 = arith.constant 0 : i32
      %dma_start3A_72 = tpu.memref_slice %arg6[%dma_start3A_70, %dma_start3A_71] : memref<10240x128xf32, #tpu.memory_space<hbm>> -> memref<10240x128xf32, #tpu.memory_space<hbm>>
      tpu.enqueue_indirect_dma source(%dma_start3A_72 : memref<10240x128xf32, #tpu.memory_space<hbm>>) target(%arg17 : memref<64x128xf32, #tpu.memory_space<vmem>>) offsets(%dma_start3A_69 : memref<64xi32, #tpu.memory_space<vmem>>) semaphore(%arg22 : memref<!tpu.dma_semaphore, #tpu.memory_space<semaphore_mem>>)
      %dma_start3A_73 = arith.constant 64 : i32
      %dma_start3A_74 = tpu.memref_slice %arg10[%dma_start3A_73] : memref<2560xi32, #tpu.memory_space<vmem>> -> memref<64xi32, #tpu.memory_space<vmem>>
      %dma_start3A_75 = arith.constant 0 : i32
      %dma_start3A_76 = arith.constant 0 : i32
      %dma_start3A_77 = tpu.memref_slice %arg6[%dma_start3A_75, %dma_start3A_76] : memref<10240x128xf32, #tpu.memory_space<hbm>> -> memref<10240x128xf32, #tpu.memory_space<hbm>>
      tpu.enqueue_indirect_dma source(%dma_start3A_77 : memref<10240x128xf32, #tpu.memory_space<hbm>>) target(%arg18 : memref<64x128xf32, #tpu.memory_space<vmem>>) offsets(%dma_start3A_74 : memref<64xi32, #tpu.memory_space<vmem>>) semaphore(%arg23 : memref<!tpu.dma_semaphore, #tpu.memory_space<semaphore_mem>>)
      %scan3A_78 = arith.constant 0 : i32
      %scan3A_79 = arith.constant 0 : i32
      %scan3A_80 = arith.constant 20 : i32
      %scan3A_81 = arith.addi %scan3A_79, %scan3A_80 : i32
      %scan3A_82 = arith.constant 1 : i32
      scf.for %scan3A_84 = %scan3A_79 to %scan3A_81 step %scan3A_82  : i32 {
        %mul3A_85 = arith.constant 2 : i32
        %mul3A_86 = arith.muli %mul3A_85, %scan3A_84 : i32
        %add3A_87 = arith.constant 0 : i32
        %add3A_88 = arith.addi %mul3A_86, %add3A_87 : i32
        %scan3A_89 = arith.constant 0 : i32
        %scan3A_90 = arith.constant 0 : i32
        %scan3A_91 = arith.constant 4 : i32
        %scan3A_92 = arith.addi %scan3A_90, %scan3A_91 : i32
        %scan3A_93 = arith.constant 1 : i32
        scf.for %scan3A_139 = %scan3A_90 to %scan3A_92 step %scan3A_93  : i32 {
          %mul3A_140 = arith.constant 16 : i32
          %mul3A_141 = arith.muli %scan3A_139, %mul3A_140 : i32
          %get3A = arith.index_cast %add3A_88 : i32 to index
          %get3A_142 = arith.index_cast %mul3A_141 : i32 to index
          %get3A_143 = tpu.vector_load %arg12[%get3A, %get3A_142] {strides = array<i32>} : memref<40x64xi32, #tpu.memory_space<vmem>>, vector<16xi32>,
          %swap3A = arith.index_cast %mul3A_141 : i32 to index
          %swap3A_144 = tpu.vector_load %arg15[%swap3A] {strides = array<i32>} : memref<64xi32, #tpu.memory_space<vmem>>, vector<16xi32>,
          tpu.vector_store %arg15[%swap3A], %get3A_143 {strides = array<i32>} : memref<64xi32, #tpu.memory_space<vmem>>, vector<16xi32>,
          %gather3A = tpu.vector_load_idx %arg9[%get3A_143] : memref<10240xf32, #tpu.memory_space<vmem>>[vector<16xi32>], vector<16xf32>,
          %mul3A_145 = arith.constant 64 : i32
          %mul3A_146 = arith.muli %add3A_88, %mul3A_145 : i32
          %mul3A_147 = arith.constant 16 : i32
          %mul3A_148 = arith.muli %scan3A_139, %mul3A_147 : i32
          %add3A_149 = arith.addi %mul3A_146, %mul3A_148 : i32
          %get3A_150 = arith.index_cast %add3A_149 : i32 to index
          %get3A_151 = tpu.vector_load %arg11[%get3A_150] {strides = array<i32>} : memref<2560xf32, #tpu.memory_space<vmem>>, vector<16xf32>,
          %sub3A_152 = arith.subf %get3A_151, %gather3A : vector<16xf32>
          %exp3A = math.exp %sub3A_152 : vector<16xf32>
          %swap3A_153 = arith.index_cast %mul3A_141 : i32 to index
          %swap3A_154 = tpu.vector_load %arg13[%swap3A_153] {strides = array<i32>} : memref<64xf32, #tpu.memory_space<vmem>>, vector<16xf32>,
          tpu.vector_store %arg13[%swap3A_153], %exp3A {strides = array<i32>} : memref<64xf32, #tpu.memory_space<vmem>>, vector<16xf32>,
        }
        %scan3A_94 = arith.constant 4 : i32
        %dma_wait3A = arith.constant 0 : i32
        %dma_wait3A_95 = arith.constant 0 : i32
        %dma_wait3A_96 = tpu.memref_slice %arg6[%dma_wait3A, %dma_wait3A_95] : memref<10240x128xf32, #tpu.memory_space<hbm>> -> memref<64x128xf32, #tpu.memory_space<hbm>>
        %dma_wait3A_97 = arith.constant 0 : i32
        %dma_wait3A_98 = arith.constant 0 : i32
        %dma_wait3A_99 = tpu.memref_slice %arg6[%dma_wait3A_97, %dma_wait3A_98] : memref<10240x128xf32, #tpu.memory_space<hbm>> -> memref<64x128xf32, #tpu.memory_space<hbm>>
        tpu.wait_dma2 semaphore(%arg22 : memref<!tpu.dma_semaphore, #tpu.memory_space<semaphore_mem>>) src(%dma_wait3A_99 : memref<64x128xf32, #tpu.memory_space<hbm>>) dst(%arg17 : memref<64x128xf32, #tpu.memory_space<vmem>>)
        %scan3A_100 = arith.constant 0 : i32
        %scan3A_101 = arith.constant 0 : i32
        %scan3A_102 = arith.constant 64 : i32
        %scan3A_103 = arith.addi %scan3A_101, %scan3A_102 : i32
        %scan3A_104 = arith.constant 1 : i32
        scf.for %scan3A_139 = %scan3A_101 to %scan3A_103 step %scan3A_104  : i32 {
          %broadcast_in_dim3A = arith.constant 0 : i32
          %broadcast_in_dim3A_140 = vector.broadcast %broadcast_in_dim3A : i32 to vector<16xi32>
          %add3A_141 = vector.broadcast %scan3A_139 : i32 to vector<16xi32>
          %add3A_142 = arith.addi %broadcast_in_dim3A_140, %add3A_141 : vector<16xi32>
          %gather3A = tpu.vector_load_idx %arg13[%add3A_142] : memref<64xf32, #tpu.memory_space<vmem>>[vector<16xi32>], vector<16xf32>,
          %get3A = arith.index_cast %scan3A_139 : i32 to index
          %get3A_143 = arith.constant 0 : index
          %get3A_144 = tpu.vector_load %arg17[%get3A, %get3A_143] {strides = array<i32>} : memref<64x128xf32, #tpu.memory_space<vmem>>, vector<16xf32>,
          %mul3A_145 = arith.mulf %get3A_144, %gather3A : vector<16xf32>
          %swap3A = arith.index_cast %scan3A_139 : i32 to index
          %swap3A_146 = arith.constant 0 : index
          %swap3A_147 = tpu.vector_load %arg17[%swap3A, %swap3A_146] {strides = array<i32>} : memref<64x128xf32, #tpu.memory_space<vmem>>, vector<16xf32>,
          tpu.vector_store %arg17[%swap3A, %swap3A_146], %mul3A_145 {strides = array<i32>} : memref<64x128xf32, #tpu.memory_space<vmem>>, vector<16xf32>,
          %get3A_148 = arith.index_cast %scan3A_139 : i32 to index
          %get3A_149 = arith.constant 16 : index
          %get3A_150 = tpu.vector_load %arg17[%get3A_148, %get3A_149] {strides = array<i32>} : memref<64x128xf32, #tpu.memory_space<vmem>>, vector<16xf32>,
          %mul3A_151 = arith.mulf %get3A_150, %gather3A : vector<16xf32>
          %swap3A_152 = arith.index_cast %scan3A_139 : i32 to index
          %swap3A_153 = arith.constant 16 : index
          %swap3A_154 = tpu.vector_load %arg17[%swap3A_152, %swap3A_153] {strides = array<i32>} : memref<64x128xf32, #tpu.memory_space<vmem>>, vector<16xf32>,
          tpu.vector_store %arg17[%swap3A_152, %swap3A_153], %mul3A_151 {strides = array<i32>} : memref<64x128xf32, #tpu.memory_space<vmem>>, vector<16xf32>,
          %get3A_155 = arith.index_cast %scan3A_139 : i32 to index
          %get3A_156 = arith.constant 32 : index
          %get3A_157 = tpu.vector_load %arg17[%get3A_155, %get3A_156] {strides = array<i32>} : memref<64x128xf32, #tpu.memory_space<vmem>>, vector<16xf32>,
          %mul3A_158 = arith.mulf %get3A_157, %gather3A : vector<16xf32>
          %swap3A_159 = arith.index_cast %scan3A_139 : i32 to index
          %swap3A_160 = arith.constant 32 : index
          %swap3A_161 = tpu.vector_load %arg17[%swap3A_159, %swap3A_160] {strides = array<i32>} : memref<64x128xf32, #tpu.memory_space<vmem>>, vector<16xf32>,
          tpu.vector_store %arg17[%swap3A_159, %swap3A_160], %mul3A_158 {strides = array<i32>} : memref<64x128xf32, #tpu.memory_space<vmem>>, vector<16xf32>,
          %get3A_162 = arith.index_cast %scan3A_139 : i32 to index
          %get3A_163 = arith.constant 48 : index
          %get3A_164 = tpu.vector_load %arg17[%get3A_162, %get3A_163] {strides = array<i32>} : memref<64x128xf32, #tpu.memory_space<vmem>>, vector<16xf32>,
          %mul3A_165 = arith.mulf %get3A_164, %gather3A : vector<16xf32>
          %swap3A_166 = arith.index_cast %scan3A_139 : i32 to index
          %swap3A_167 = arith.constant 48 : index
          %swap3A_168 = tpu.vector_load %arg17[%swap3A_166, %swap3A_167] {strides = array<i32>} : memref<64x128xf32, #tpu.memory_space<vmem>>, vector<16xf32>,
          tpu.vector_store %arg17[%swap3A_166, %swap3A_167], %mul3A_165 {strides = array<i32>} : memref<64x128xf32, #tpu.memory_space<vmem>>, vector<16xf32>,
          %get3A_169 = arith.index_cast %scan3A_139 : i32 to index
          %get3A_170 = arith.constant 64 : index
          %get3A_171 = tpu.vector_load %arg17[%get3A_169, %get3A_170] {strides = array<i32>} : memref<64x128xf32, #tpu.memory_space<vmem>>, vector<16xf32>,
          %mul3A_172 = arith.mulf %get3A_171, %gather3A : vector<16xf32>
          %swap3A_173 = arith.index_cast %scan3A_139 : i32 to index
          %swap3A_174 = arith.constant 64 : index
          %swap3A_175 = tpu.vector_load %arg17[%swap3A_173, %swap3A_174] {strides = array<i32>} : memref<64x128xf32, #tpu.memory_space<vmem>>, vector<16xf32>,
          tpu.vector_store %arg17[%swap3A_173, %swap3A_174], %mul3A_172 {strides = array<i32>} : memref<64x128xf32, #tpu.memory_space<vmem>>, vector<16xf32>,
          %get3A_176 = arith.index_cast %scan3A_139 : i32 to index
          %get3A_177 = arith.constant 80 : index
          %get3A_178 = tpu.vector_load %arg17[%get3A_176, %get3A_177] {strides = array<i32>} : memref<64x128xf32, #tpu.memory_space<vmem>>, vector<16xf32>,
          %mul3A_179 = arith.mulf %get3A_178, %gather3A : vector<16xf32>
          %swap3A_180 = arith.index_cast %scan3A_139 : i32 to index
          %swap3A_181 = arith.constant 80 : index
          %swap3A_182 = tpu.vector_load %arg17[%swap3A_180, %swap3A_181] {strides = array<i32>} : memref<64x128xf32, #tpu.memory_space<vmem>>, vector<16xf32>,
          tpu.vector_store %arg17[%swap3A_180, %swap3A_181], %mul3A_179 {strides = array<i32>} : memref<64x128xf32, #tpu.memory_space<vmem>>, vector<16xf32>,
          %get3A_183 = arith.index_cast %scan3A_139 : i32 to index
          %get3A_184 = arith.constant 96 : index
          %get3A_185 = tpu.vector_load %arg17[%get3A_183, %get3A_184] {strides = array<i32>} : memref<64x128xf32, #tpu.memory_space<vmem>>, vector<16xf32>,
          %mul3A_186 = arith.mulf %get3A_185, %gather3A : vector<16xf32>
          %swap3A_187 = arith.index_cast %scan3A_139 : i32 to index
          %swap3A_188 = arith.constant 96 : index
          %swap3A_189 = tpu.vector_load %arg17[%swap3A_187, %swap3A_188] {strides = array<i32>} : memref<64x128xf32, #tpu.memory_space<vmem>>, vector<16xf32>,
          tpu.vector_store %arg17[%swap3A_187, %swap3A_188], %mul3A_186 {strides = array<i32>} : memref<64x128xf32, #tpu.memory_space<vmem>>, vector<16xf32>,
          %get3A_190 = arith.index_cast %scan3A_139 : i32 to index
          %get3A_191 = arith.constant 112 : index
          %get3A_192 = tpu.vector_load %arg17[%get3A_190, %get3A_191] {strides = array<i32>} : memref<64x128xf32, #tpu.memory_space<vmem>>, vector<16xf32>,
          %mul3A_193 = arith.mulf %get3A_192, %gather3A : vector<16xf32>
          %swap3A_194 = arith.index_cast %scan3A_139 : i32 to index
          %swap3A_195 = arith.constant 112 : index
          %swap3A_196 = tpu.vector_load %arg17[%swap3A_194, %swap3A_195] {strides = array<i32>} : memref<64x128xf32, #tpu.memory_space<vmem>>, vector<16xf32>,
          tpu.vector_store %arg17[%swap3A_194, %swap3A_195], %mul3A_193 {strides = array<i32>} : memref<64x128xf32, #tpu.memory_space<vmem>>, vector<16xf32>,
        }
        %scan3A_105 = arith.constant 64 : i32
        "tpu.region"() ({
          %run_scoped3A_139 = tpu.sem_alloc : memref<!tpu.dma_semaphore, #tpu.memory_space<semaphore_mem>>
          %dma_start3A_140 = arith.constant 0 : i32
          %dma_start3A_141 = tpu.memref_slice %arg21[%dma_start3A_140] : memref<10240xf32, #tpu.memory_space<vmem_shared>> -> memref<10240xf32, #tpu.memory_space<vmem_shared>>
          tpu.enqueue_indirect_dma source(%arg13 : memref<64xf32, #tpu.memory_space<vmem>>) target(%dma_start3A_141 : memref<10240xf32, #tpu.memory_space<vmem_shared>>) offsets(%arg15 : memref<64xi32, #tpu.memory_space<vmem>>) semaphore(%run_scoped3A_139 : memref<!tpu.dma_semaphore, #tpu.memory_space<semaphore_mem>>) {add = true}
          %dma_wait3A_142 = arith.constant 0 : i32
          %dma_wait3A_143 = tpu.memref_slice %arg21[%dma_wait3A_142] : memref<10240xf32, #tpu.memory_space<vmem_shared>> -> memref<10240xf32, #tpu.memory_space<vmem_shared>>
          tpu.wait_indirect_dma semaphore(%run_scoped3A_139 : memref<!tpu.dma_semaphore, #tpu.memory_space<semaphore_mem>>) src(%arg13 : memref<64xf32, #tpu.memory_space<vmem>>) dst(%dma_wait3A_143 : memref<10240xf32, #tpu.memory_space<vmem_shared>>)
          tpu.yield
        }) : () -> ()
        "tpu.region"() ({
          %run_scoped3A_139 = tpu.sem_alloc : memref<!tpu.dma_semaphore, #tpu.memory_space<semaphore_mem>>
          %dma_start3A_140 = arith.constant 0 : i32
          %dma_start3A_141 = arith.constant 0 : i32
          %dma_start3A_142 = tpu.memref_slice %arg20[%dma_start3A_140, %dma_start3A_141] : memref<10240x128xf32, #tpu.memory_space<vmem_shared>> -> memref<10240x128xf32, #tpu.memory_space<vmem_shared>>
          tpu.enqueue_indirect_dma source(%arg17 : memref<64x128xf32, #tpu.memory_space<vmem>>) target(%dma_start3A_142 : memref<10240x128xf32, #tpu.memory_space<vmem_shared>>) offsets(%arg15 : memref<64xi32, #tpu.memory_space<vmem>>) semaphore(%run_scoped3A_139 : memref<!tpu.dma_semaphore, #tpu.memory_space<semaphore_mem>>) {add = true}
          %dma_wait3A_143 = arith.constant 0 : i32
          %dma_wait3A_144 = arith.constant 0 : i32
          %dma_wait3A_145 = tpu.memref_slice %arg20[%dma_wait3A_143, %dma_wait3A_144] : memref<10240x128xf32, #tpu.memory_space<vmem_shared>> -> memref<10240x128xf32, #tpu.memory_space<vmem_shared>>
          tpu.wait_indirect_dma semaphore(%run_scoped3A_139 : memref<!tpu.dma_semaphore, #tpu.memory_space<semaphore_mem>>) src(%arg17 : memref<64x128xf32, #tpu.memory_space<vmem>>) dst(%dma_wait3A_145 : memref<10240x128xf32, #tpu.memory_space<vmem_shared>>)
          tpu.yield
        }) : () -> ()
        %add3A_106 = arith.constant 2 : i32
        %add3A_107 = arith.addi %add3A_88, %add3A_106 : i32
        %lt3A = arith.constant 40 : i32
        %lt3A_108 = arith.cmpi slt, %add3A_107, %lt3A : i32
        %convert_element_type3A = arith.extui %lt3A_108 : i1 to i32
        %cond3A = arith.constant 0 : i32
        %cond3A_109 = arith.cmpi ne, %convert_element_type3A, %cond3A : i32
        scf.if %cond3A_109 {
          %add3A_139 = arith.constant 2 : i32
          %add3A_140 = arith.addi %add3A_88, %add3A_139 : i32
          %mul3A_141 = arith.constant 64 : i32
          %mul3A_142 = arith.muli %add3A_140, %mul3A_141 : i32
          %dma_start3A_143 = tpu.memref_slice %arg10[%mul3A_142] : memref<2560xi32, #tpu.memory_space<vmem>> -> memref<64xi32, #tpu.memory_space<vmem>>
          %dma_start3A_144 = arith.constant 0 : i32
          %dma_start3A_145 = arith.constant 0 : i32
          %dma_start3A_146 = tpu.memref_slice %arg6[%dma_start3A_144, %dma_start3A_145] : memref<10240x128xf32, #tpu.memory_space<hbm>> -> memref<10240x128xf32, #tpu.memory_space<hbm>>
          tpu.enqueue_indirect_dma source(%dma_start3A_146 : memref<10240x128xf32, #tpu.memory_space<hbm>>) target(%arg17 : memref<64x128xf32, #tpu.memory_space<vmem>>) offsets(%dma_start3A_143 : memref<64xi32, #tpu.memory_space<vmem>>) semaphore(%arg22 : memref<!tpu.dma_semaphore, #tpu.memory_space<semaphore_mem>>)
        } else {
        }
        %mul3A_110 = arith.constant 2 : i32
        %mul3A_111 = arith.muli %mul3A_110, %scan3A_84 : i32
        %add3A_112 = arith.constant 1 : i32
        %add3A_113 = arith.addi %mul3A_111, %add3A_112 : i32
        %scan3A_114 = arith.constant 0 : i32
        %scan3A_115 = arith.constant 0 : i32
        %scan3A_116 = arith.constant 4 : i32
        %scan3A_117 = arith.addi %scan3A_115, %scan3A_116 : i32
        %scan3A_118 = arith.constant 1 : i32
        scf.for %scan3A_139 = %scan3A_115 to %scan3A_117 step %scan3A_118  : i32 {
          %mul3A_140 = arith.constant 16 : i32
          %mul3A_141 = arith.muli %scan3A_139, %mul3A_140 : i32
          %get3A = arith.index_cast %add3A_113 : i32 to index
          %get3A_142 = arith.index_cast %mul3A_141 : i32 to index
          %get3A_143 = tpu.vector_load %arg12[%get3A, %get3A_142] {strides = array<i32>} : memref<40x64xi32, #tpu.memory_space<vmem>>, vector<16xi32>,
          %swap3A = arith.index_cast %mul3A_141 : i32 to index
          %swap3A_144 = tpu.vector_load %arg16[%swap3A] {strides = array<i32>} : memref<64xi32, #tpu.memory_space<vmem>>, vector<16xi32>,
          tpu.vector_store %arg16[%swap3A], %get3A_143 {strides = array<i32>} : memref<64xi32, #tpu.memory_space<vmem>>, vector<16xi32>,
          %gather3A = tpu.vector_load_idx %arg9[%get3A_143] : memref<10240xf32, #tpu.memory_space<vmem>>[vector<16xi32>], vector<16xf32>,
          %mul3A_145 = arith.constant 64 : i32
          %mul3A_146 = arith.muli %add3A_113, %mul3A_145 : i32
          %mul3A_147 = arith.constant 16 : i32
          %mul3A_148 = arith.muli %scan3A_139, %mul3A_147 : i32
          %add3A_149 = arith.addi %mul3A_146, %mul3A_148 : i32
          %get3A_150 = arith.index_cast %add3A_149 : i32 to index
          %get3A_151 = tpu.vector_load %arg11[%get3A_150] {strides = array<i32>} : memref<2560xf32, #tpu.memory_space<vmem>>, vector<16xf32>,
          %sub3A_152 = arith.subf %get3A_151, %gather3A : vector<16xf32>
          %exp3A = math.exp %sub3A_152 : vector<16xf32>
          %swap3A_153 = arith.index_cast %mul3A_141 : i32 to index
          %swap3A_154 = tpu.vector_load %arg14[%swap3A_153] {strides = array<i32>} : memref<64xf32, #tpu.memory_space<vmem>>, vector<16xf32>,
          tpu.vector_store %arg14[%swap3A_153], %exp3A {strides = array<i32>} : memref<64xf32, #tpu.memory_space<vmem>>, vector<16xf32>,
        }
        %scan3A_119 = arith.constant 4 : i32
        %dma_wait3A_120 = arith.constant 0 : i32
        %dma_wait3A_121 = arith.constant 0 : i32
        %dma_wait3A_122 = tpu.memref_slice %arg6[%dma_wait3A_120, %dma_wait3A_121] : memref<10240x128xf32, #tpu.memory_space<hbm>> -> memref<64x128xf32, #tpu.memory_space<hbm>>
        %dma_wait3A_123 = arith.constant 0 : i32
        %dma_wait3A_124 = arith.constant 0 : i32
        %dma_wait3A_125 = tpu.memref_slice %arg6[%dma_wait3A_123, %dma_wait3A_124] : memref<10240x128xf32, #tpu.memory_space<hbm>> -> memref<64x128xf32, #tpu.memory_space<hbm>>
        tpu.wait_dma2 semaphore(%arg23 : memref<!tpu.dma_semaphore, #tpu.memory_space<semaphore_mem>>) src(%dma_wait3A_125 : memref<64x128xf32, #tpu.memory_space<hbm>>) dst(%arg18 : memref<64x128xf32, #tpu.memory_space<vmem>>)
        %scan3A_126 = arith.constant 0 : i32
        %scan3A_127 = arith.constant 0 : i32
        %scan3A_128 = arith.constant 64 : i32
        %scan3A_129 = arith.addi %scan3A_127, %scan3A_128 : i32
        %scan3A_130 = arith.constant 1 : i32
        scf.for %scan3A_139 = %scan3A_127 to %scan3A_129 step %scan3A_130  : i32 {
          %broadcast_in_dim3A = arith.constant 0 : i32
          %broadcast_in_dim3A_140 = vector.broadcast %broadcast_in_dim3A : i32 to vector<16xi32>
          %add3A_141 = vector.broadcast %scan3A_139 : i32 to vector<16xi32>
          %add3A_142 = arith.addi %broadcast_in_dim3A_140, %add3A_141 : vector<16xi32>
          %gather3A = tpu.vector_load_idx %arg14[%add3A_142] : memref<64xf32, #tpu.memory_space<vmem>>[vector<16xi32>], vector<16xf32>,
          %get3A = arith.index_cast %scan3A_139 : i32 to index
          %get3A_143 = arith.constant 0 : index
          %get3A_144 = tpu.vector_load %arg18[%get3A, %get3A_143] {strides = array<i32>} : memref<64x128xf32, #tpu.memory_space<vmem>>, vector<16xf32>,
          %mul3A_145 = arith.mulf %get3A_144, %gather3A : vector<16xf32>
          %swap3A = arith.index_cast %scan3A_139 : i32 to index
          %swap3A_146 = arith.constant 0 : index
          %swap3A_147 = tpu.vector_load %arg18[%swap3A, %swap3A_146] {strides = array<i32>} : memref<64x128xf32, #tpu.memory_space<vmem>>, vector<16xf32>,
          tpu.vector_store %arg18[%swap3A, %swap3A_146], %mul3A_145 {strides = array<i32>} : memref<64x128xf32, #tpu.memory_space<vmem>>, vector<16xf32>,
          %get3A_148 = arith.index_cast %scan3A_139 : i32 to index
          %get3A_149 = arith.constant 16 : index
          %get3A_150 = tpu.vector_load %arg18[%get3A_148, %get3A_149] {strides = array<i32>} : memref<64x128xf32, #tpu.memory_space<vmem>>, vector<16xf32>,
          %mul3A_151 = arith.mulf %get3A_150, %gather3A : vector<16xf32>
          %swap3A_152 = arith.index_cast %scan3A_139 : i32 to index
          %swap3A_153 = arith.constant 16 : index
          %swap3A_154 = tpu.vector_load %arg18[%swap3A_152, %swap3A_153] {strides = array<i32>} : memref<64x128xf32, #tpu.memory_space<vmem>>, vector<16xf32>,
          tpu.vector_store %arg18[%swap3A_152, %swap3A_153], %mul3A_151 {strides = array<i32>} : memref<64x128xf32, #tpu.memory_space<vmem>>, vector<16xf32>,
          %get3A_155 = arith.index_cast %scan3A_139 : i32 to index
          %get3A_156 = arith.constant 32 : index
          %get3A_157 = tpu.vector_load %arg18[%get3A_155, %get3A_156] {strides = array<i32>} : memref<64x128xf32, #tpu.memory_space<vmem>>, vector<16xf32>,
          %mul3A_158 = arith.mulf %get3A_157, %gather3A : vector<16xf32>
          %swap3A_159 = arith.index_cast %scan3A_139 : i32 to index
          %swap3A_160 = arith.constant 32 : index
          %swap3A_161 = tpu.vector_load %arg18[%swap3A_159, %swap3A_160] {strides = array<i32>} : memref<64x128xf32, #tpu.memory_space<vmem>>, vector<16xf32>,
          tpu.vector_store %arg18[%swap3A_159, %swap3A_160], %mul3A_158 {strides = array<i32>} : memref<64x128xf32, #tpu.memory_space<vmem>>, vector<16xf32>,
          %get3A_162 = arith.index_cast %scan3A_139 : i32 to index
          %get3A_163 = arith.constant 48 : index
          %get3A_164 = tpu.vector_load %arg18[%get3A_162, %get3A_163] {strides = array<i32>} : memref<64x128xf32, #tpu.memory_space<vmem>>, vector<16xf32>,
          %mul3A_165 = arith.mulf %get3A_164, %gather3A : vector<16xf32>
          %swap3A_166 = arith.index_cast %scan3A_139 : i32 to index
          %swap3A_167 = arith.constant 48 : index
          %swap3A_168 = tpu.vector_load %arg18[%swap3A_166, %swap3A_167] {strides = array<i32>} : memref<64x128xf32, #tpu.memory_space<vmem>>, vector<16xf32>,
          tpu.vector_store %arg18[%swap3A_166, %swap3A_167], %mul3A_165 {strides = array<i32>} : memref<64x128xf32, #tpu.memory_space<vmem>>, vector<16xf32>,
          %get3A_169 = arith.index_cast %scan3A_139 : i32 to index
          %get3A_170 = arith.constant 64 : index
          %get3A_171 = tpu.vector_load %arg18[%get3A_169, %get3A_170] {strides = array<i32>} : memref<64x128xf32, #tpu.memory_space<vmem>>, vector<16xf32>,
          %mul3A_172 = arith.mulf %get3A_171, %gather3A : vector<16xf32>
          %swap3A_173 = arith.index_cast %scan3A_139 : i32 to index
          %swap3A_174 = arith.constant 64 : index
          %swap3A_175 = tpu.vector_load %arg18[%swap3A_173, %swap3A_174] {strides = array<i32>} : memref<64x128xf32, #tpu.memory_space<vmem>>, vector<16xf32>,
          tpu.vector_store %arg18[%swap3A_173, %swap3A_174], %mul3A_172 {strides = array<i32>} : memref<64x128xf32, #tpu.memory_space<vmem>>, vector<16xf32>,
          %get3A_176 = arith.index_cast %scan3A_139 : i32 to index
          %get3A_177 = arith.constant 80 : index
          %get3A_178 = tpu.vector_load %arg18[%get3A_176, %get3A_177] {strides = array<i32>} : memref<64x128xf32, #tpu.memory_space<vmem>>, vector<16xf32>,
          %mul3A_179 = arith.mulf %get3A_178, %gather3A : vector<16xf32>
          %swap3A_180 = arith.index_cast %scan3A_139 : i32 to index
          %swap3A_181 = arith.constant 80 : index
          %swap3A_182 = tpu.vector_load %arg18[%swap3A_180, %swap3A_181] {strides = array<i32>} : memref<64x128xf32, #tpu.memory_space<vmem>>, vector<16xf32>,
          tpu.vector_store %arg18[%swap3A_180, %swap3A_181], %mul3A_179 {strides = array<i32>} : memref<64x128xf32, #tpu.memory_space<vmem>>, vector<16xf32>,
          %get3A_183 = arith.index_cast %scan3A_139 : i32 to index
          %get3A_184 = arith.constant 96 : index
          %get3A_185 = tpu.vector_load %arg18[%get3A_183, %get3A_184] {strides = array<i32>} : memref<64x128xf32, #tpu.memory_space<vmem>>, vector<16xf32>,
          %mul3A_186 = arith.mulf %get3A_185, %gather3A : vector<16xf32>
          %swap3A_187 = arith.index_cast %scan3A_139 : i32 to index
          %swap3A_188 = arith.constant 96 : index
          %swap3A_189 = tpu.vector_load %arg18[%swap3A_187, %swap3A_188] {strides = array<i32>} : memref<64x128xf32, #tpu.memory_space<vmem>>, vector<16xf32>,
          tpu.vector_store %arg18[%swap3A_187, %swap3A_188], %mul3A_186 {strides = array<i32>} : memref<64x128xf32, #tpu.memory_space<vmem>>, vector<16xf32>,
          %get3A_190 = arith.index_cast %scan3A_139 : i32 to index
          %get3A_191 = arith.constant 112 : index
          %get3A_192 = tpu.vector_load %arg18[%get3A_190, %get3A_191] {strides = array<i32>} : memref<64x128xf32, #tpu.memory_space<vmem>>, vector<16xf32>,
          %mul3A_193 = arith.mulf %get3A_192, %gather3A : vector<16xf32>
          %swap3A_194 = arith.index_cast %scan3A_139 : i32 to index
          %swap3A_195 = arith.constant 112 : index
          %swap3A_196 = tpu.vector_load %arg18[%swap3A_194, %swap3A_195] {strides = array<i32>} : memref<64x128xf32, #tpu.memory_space<vmem>>, vector<16xf32>,
          tpu.vector_store %arg18[%swap3A_194, %swap3A_195], %mul3A_193 {strides = array<i32>} : memref<64x128xf32, #tpu.memory_space<vmem>>, vector<16xf32>,
        }
        %scan3A_131 = arith.constant 64 : i32
        "tpu.region"() ({
          %run_scoped3A_139 = tpu.sem_alloc : memref<!tpu.dma_semaphore, #tpu.memory_space<semaphore_mem>>
          %dma_start3A_140 = arith.constant 0 : i32
          %dma_start3A_141 = tpu.memref_slice %arg21[%dma_start3A_140] : memref<10240xf32, #tpu.memory_space<vmem_shared>> -> memref<10240xf32, #tpu.memory_space<vmem_shared>>
          tpu.enqueue_indirect_dma source(%arg14 : memref<64xf32, #tpu.memory_space<vmem>>) target(%dma_start3A_141 : memref<10240xf32, #tpu.memory_space<vmem_shared>>) offsets(%arg16 : memref<64xi32, #tpu.memory_space<vmem>>) semaphore(%run_scoped3A_139 : memref<!tpu.dma_semaphore, #tpu.memory_space<semaphore_mem>>) {add = true}
          %dma_wait3A_142 = arith.constant 0 : i32
          %dma_wait3A_143 = tpu.memref_slice %arg21[%dma_wait3A_142] : memref<10240xf32, #tpu.memory_space<vmem_shared>> -> memref<10240xf32, #tpu.memory_space<vmem_shared>>
          tpu.wait_indirect_dma semaphore(%run_scoped3A_139 : memref<!tpu.dma_semaphore, #tpu.memory_space<semaphore_mem>>) src(%arg14 : memref<64xf32, #tpu.memory_space<vmem>>) dst(%dma_wait3A_143 : memref<10240xf32, #tpu.memory_space<vmem_shared>>)
          tpu.yield
        }) : () -> ()
        "tpu.region"() ({
          %run_scoped3A_139 = tpu.sem_alloc : memref<!tpu.dma_semaphore, #tpu.memory_space<semaphore_mem>>
          %dma_start3A_140 = arith.constant 0 : i32
          %dma_start3A_141 = arith.constant 0 : i32
          %dma_start3A_142 = tpu.memref_slice %arg20[%dma_start3A_140, %dma_start3A_141] : memref<10240x128xf32, #tpu.memory_space<vmem_shared>> -> memref<10240x128xf32, #tpu.memory_space<vmem_shared>>
          tpu.enqueue_indirect_dma source(%arg18 : memref<64x128xf32, #tpu.memory_space<vmem>>) target(%dma_start3A_142 : memref<10240x128xf32, #tpu.memory_space<vmem_shared>>) offsets(%arg16 : memref<64xi32, #tpu.memory_space<vmem>>) semaphore(%run_scoped3A_139 : memref<!tpu.dma_semaphore, #tpu.memory_space<semaphore_mem>>) {add = true}
          %dma_wait3A_143 = arith.constant 0 : i32
          %dma_wait3A_144 = arith.constant 0 : i32
          %dma_wait3A_145 = tpu.memref_slice %arg20[%dma_wait3A_143, %dma_wait3A_144] : memref<10240x128xf32, #tpu.memory_space<vmem_shared>> -> memref<10240x128xf32, #tpu.memory_space<vmem_shared>>
          tpu.wait_indirect_dma semaphore(%run_scoped3A_139 : memref<!tpu.dma_semaphore, #tpu.memory_space<semaphore_mem>>) src(%arg18 : memref<64x128xf32, #tpu.memory_space<vmem>>) dst(%dma_wait3A_145 : memref<10240x128xf32, #tpu.memory_space<vmem_shared>>)
          tpu.yield
        }) : () -> ()
        %add3A_132 = arith.constant 2 : i32
        %add3A_133 = arith.addi %add3A_113, %add3A_132 : i32
        %lt3A_134 = arith.constant 40 : i32
        %lt3A_135 = arith.cmpi slt, %add3A_133, %lt3A_134 : i32
        %convert_element_type3A_136 = arith.extui %lt3A_135 : i1 to i32
        %cond3A_137 = arith.constant 0 : i32
        %cond3A_138 = arith.cmpi ne, %convert_element_type3A_136, %cond3A_137 : i32
        scf.if %cond3A_138 {
          %add3A_139 = arith.constant 2 : i32
          %add3A_140 = arith.addi %add3A_113, %add3A_139 : i32
          %mul3A_141 = arith.constant 64 : i32
          %mul3A_142 = arith.muli %add3A_140, %mul3A_141 : i32
          %dma_start3A_143 = tpu.memref_slice %arg10[%mul3A_142] : memref<2560xi32, #tpu.memory_space<vmem>> -> memref<64xi32, #tpu.memory_space<vmem>>
          %dma_start3A_144 = arith.constant 0 : i32
          %dma_start3A_145 = arith.constant 0 : i32
          %dma_start3A_146 = tpu.memref_slice %arg6[%dma_start3A_144, %dma_start3A_145] : memref<10240x128xf32, #tpu.memory_space<hbm>> -> memref<10240x128xf32, #tpu.memory_space<hbm>>
          tpu.enqueue_indirect_dma source(%dma_start3A_146 : memref<10240x128xf32, #tpu.memory_space<hbm>>) target(%arg18 : memref<64x128xf32, #tpu.memory_space<vmem>>) offsets(%dma_start3A_143 : memref<64xi32, #tpu.memory_space<vmem>>) semaphore(%arg23 : memref<!tpu.dma_semaphore, #tpu.memory_space<semaphore_mem>>)
        } else {
        }
      }
      %scan3A_83 = arith.constant 20 : i32
    }
    %while3A_42 = arith.constant 1 : i32
    scf.for %while3A_46 = %while3A_40 to %while3A_36 step %while3A_42  : i32 {
      %mul3A_47 = arith.constant 2560 : i32
      %mul3A_48 = arith.muli %while3A_46, %mul3A_47 : i32
      %add3A_49 = arith.addi %select_n3A, %mul3A_48 : i32
      %multiple_of3A = tpu.assume_multiple %add3A_49, 2560 : i32
      %jit3A_50 = arith.constant 64 : i32
      %div3A = arith.divsi %multiple_of3A, %jit3A_50 : i32
      %sign3A = arith.constant 0 : i32
      %sign3A_51 = arith.cmpi sgt, %multiple_of3A, %sign3A : i32
      %sign3A_52 = arith.extui %sign3A_51 : i1 to i32
      %sign3A_53 = arith.constant 0 : i32
      %sign3A_54 = arith.cmpi slt, %multiple_of3A, %sign3A_53 : i32
      %sign3A_55 = arith.extui %sign3A_54 : i1 to i32
      %sign3A_56 = arith.subi %sign3A_52, %sign3A_55 : i32
      %sign3A_57 = arith.constant 0 : i32
      %sign3A_58 = arith.cmpi sgt, %jit3A_50, %sign3A_57 : i32
      %sign3A_59 = arith.extui %sign3A_58 : i1 to i32
      %sign3A_60 = arith.constant 0 : i32
      %sign3A_61 = arith.cmpi slt, %jit3A_50, %sign3A_60 : i32
      %sign3A_62 = arith.extui %sign3A_61 : i1 to i32
      %sign3A_63 = arith.subi %sign3A_59, %sign3A_62 : i32
      %ne3A = arith.cmpi ne, %sign3A_56, %sign3A_63 : i32
      %rem3A = arith.remsi %multiple_of3A, %jit3A_50 : i32
      %ne3A_64 = arith.constant 0 : i32
      %ne3A_65 = arith.cmpi ne, %rem3A, %ne3A_64 : i32
      %and3A = arith.andi %ne3A, %ne3A_65 : i1
      %sub3A = arith.constant 1 : i32
      %sub3A_66 = arith.subi %div3A, %sub3A : i32
      %select_n3A_67 = arith.select %and3A, %sub3A_66, %div3A : i32
      %multiple_of3A_68 = tpu.assume_multiple %select_n3A_67, 40 : i32
      "tpu.region"() ({
        %run_scoped3A_84 = tpu.sem_alloc : memref<!tpu.dma_semaphore, #tpu.memory_space<semaphore_mem>>
        %dma_start3A_85 = tpu.memref_slice %arg2[%multiple_of3A] : memref<337920xi32, #tpu.memory_space<hbm>> -> memref<2560xi32, #tpu.memory_space<hbm>>
        %dma_start3A_86 = tpu.memref_slice %arg2[%multiple_of3A] : memref<337920xi32, #tpu.memory_space<hbm>> -> memref<2560xi32, #tpu.memory_space<hbm>>
        tpu.enqueue_dma source(%dma_start3A_86 : memref<2560xi32, #tpu.memory_space<hbm>>) target(%arg10 : memref<2560xi32, #tpu.memory_space<vmem>>) target_semaphore(%run_scoped3A_84 : memref<!tpu.dma_semaphore, #tpu.memory_space<semaphore_mem>>)
        %dma_wait3A = tpu.memref_slice %arg2[%multiple_of3A] : memref<337920xi32, #tpu.memory_space<hbm>> -> memref<2560xi32, #tpu.memory_space<hbm>>
        %dma_wait3A_87 = tpu.memref_slice %arg2[%multiple_of3A] : memref<337920xi32, #tpu.memory_space<hbm>> -> memref<2560xi32, #tpu.memory_space<hbm>>
        tpu.wait_dma2 semaphore(%run_scoped3A_84 : memref<!tpu.dma_semaphore, #tpu.memory_space<semaphore_mem>>) src(%dma_wait3A_87 : memref<2560xi32, #tpu.memory_space<hbm>>) dst(%arg10 : memref<2560xi32, #tpu.memory_space<vmem>>)
        tpu.yield
      }) : () -> ()
      "tpu.region"() ({
        %run_scoped3A_84 = tpu.sem_alloc : memref<!tpu.dma_semaphore, #tpu.memory_space<semaphore_mem>>
        %dma_start3A_85 = tpu.memref_slice %arg4[%multiple_of3A] : memref<337920xf32, #tpu.memory_space<hbm>> -> memref<2560xf32, #tpu.memory_space<hbm>>
        %dma_start3A_86 = tpu.memref_slice %arg4[%multiple_of3A] : memref<337920xf32, #tpu.memory_space<hbm>> -> memref<2560xf32, #tpu.memory_space<hbm>>
        tpu.enqueue_dma source(%dma_start3A_86 : memref<2560xf32, #tpu.memory_space<hbm>>) target(%arg11 : memref<2560xf32, #tpu.memory_space<vmem>>) target_semaphore(%run_scoped3A_84 : memref<!tpu.dma_semaphore, #tpu.memory_space<semaphore_mem>>)
        %dma_wait3A = tpu.memref_slice %arg4[%multiple_of3A] : memref<337920xf32, #tpu.memory_space<hbm>> -> memref<2560xf32, #tpu.memory_space<hbm>>
        %dma_wait3A_87 = tpu.memref_slice %arg4[%multiple_of3A] : memref<337920xf32, #tpu.memory_space<hbm>> -> memref<2560xf32, #tpu.memory_space<hbm>>
        tpu.wait_dma2 semaphore(%run_scoped3A_84 : memref<!tpu.dma_semaphore, #tpu.memory_space<semaphore_mem>>) src(%dma_wait3A_87 : memref<2560xf32, #tpu.memory_space<hbm>>) dst(%arg11 : memref<2560xf32, #tpu.memory_space<vmem>>)
        tpu.yield
      }) : () -> ()
      "tpu.region"() ({
        %run_scoped3A_84 = tpu.sem_alloc : memref<!tpu.dma_semaphore, #tpu.memory_space<semaphore_mem>>
        %dma_start3A_85 = arith.constant 0 : i32
        %dma_start3A_86 = tpu.memref_slice %arg3[%multiple_of3A_68, %dma_start3A_85] : memref<5280x64xi32, #tpu.memory_space<hbm>> -> memref<40x64xi32, #tpu.memory_space<hbm>>
        %dma_start3A_87 = arith.constant 0 : i32
        %dma_start3A_88 = tpu.memref_slice %arg3[%multiple_of3A_68, %dma_start3A_87] : memref<5280x64xi32, #tpu.memory_space<hbm>> -> memref<40x64xi32, #tpu.memory_space<hbm>>
        tpu.enqueue_dma source(%dma_start3A_88 : memref<40x64xi32, #tpu.memory_space<hbm>>) target(%arg12 : memref<40x64xi32, #tpu.memory_space<vmem>>) target_semaphore(%run_scoped3A_84 : memref<!tpu.dma_semaphore, #tpu.memory_space<semaphore_mem>>)
        %dma_wait3A = arith.constant 0 : i32
        %dma_wait3A_89 = tpu.memref_slice %arg3[%multiple_of3A_68, %dma_wait3A] : memref<5280x64xi32, #tpu.memory_space<hbm>> -> memref<40x64xi32, #tpu.memory_space<hbm>>
        %dma_wait3A_90 = arith.constant 0 : i32
        %dma_wait3A_91 = tpu.memref_slice %arg3[%multiple_of3A_68, %dma_wait3A_90] : memref<5280x64xi32, #tpu.memory_space<hbm>> -> memref<40x64xi32, #tpu.memory_space<hbm>>
        tpu.wait_dma2 semaphore(%run_scoped3A_84 : memref<!tpu.dma_semaphore, #tpu.memory_space<semaphore_mem>>) src(%dma_wait3A_91 : memref<40x64xi32, #tpu.memory_space<hbm>>) dst(%arg12 : memref<40x64xi32, #tpu.memory_space<vmem>>)
        tpu.yield
      }) : () -> ()
      %dma_start3A = arith.constant 0 : i32
      %dma_start3A_69 = tpu.memref_slice %arg10[%dma_start3A] : memref<2560xi32, #tpu.memory_space<vmem>> -> memref<64xi32, #tpu.memory_space<vmem>>
      %dma_start3A_70 = arith.constant 0 : i32
      %dma_start3A_71 = arith.constant 0 : i32
      %dma_start3A_72 = tpu.memref_slice %arg6[%dma_start3A_70, %dma_start3A_71] : memref<10240x128xf32, #tpu.memory_space<hbm>> -> memref<10240x128xf32, #tpu.memory_space<hbm>>
      tpu.enqueue_indirect_dma source(%dma_start3A_72 : memref<10240x128xf32, #tpu.memory_space<hbm>>) target(%arg17 : memref<64x128xf32, #tpu.memory_space<vmem>>) offsets(%dma_start3A_69 : memref<64xi32, #tpu.memory_space<vmem>>) semaphore(%arg22 : memref<!tpu.dma_semaphore, #tpu.memory_space<semaphore_mem>>)
      %dma_start3A_73 = arith.constant 64 : i32
      %dma_start3A_74 = tpu.memref_slice %arg10[%dma_start3A_73] : memref<2560xi32, #tpu.memory_space<vmem>> -> memref<64xi32, #tpu.memory_space<vmem>>
      %dma_start3A_75 = arith.constant 0 : i32
      %dma_start3A_76 = arith.constant 0 : i32
      %dma_start3A_77 = tpu.memref_slice %arg6[%dma_start3A_75, %dma_start3A_76] : memref<10240x128xf32, #tpu.memory_space<hbm>> -> memref<10240x128xf32, #tpu.memory_space<hbm>>
      tpu.enqueue_indirect_dma source(%dma_start3A_77 : memref<10240x128xf32, #tpu.memory_space<hbm>>) target(%arg18 : memref<64x128xf32, #tpu.memory_space<vmem>>) offsets(%dma_start3A_74 : memref<64xi32, #tpu.memory_space<vmem>>) semaphore(%arg23 : memref<!tpu.dma_semaphore, #tpu.memory_space<semaphore_mem>>)
      %scan3A_78 = arith.constant 0 : i32
      %scan3A_79 = arith.constant 0 : i32
      %scan3A_80 = arith.constant 20 : i32
      %scan3A_81 = arith.addi %scan3A_79, %scan3A_80 : i32
      %scan3A_82 = arith.constant 1 : i32
      scf.for %scan3A_84 = %scan3A_79 to %scan3A_81 step %scan3A_82  : i32 {
        %mul3A_85 = arith.constant 2 : i32
        %mul3A_86 = arith.muli %mul3A_85, %scan3A_84 : i32
        %add3A_87 = arith.constant 0 : i32
        %add3A_88 = arith.addi %mul3A_86, %add3A_87 : i32
        %scan3A_89 = arith.constant 0 : i32
        %scan3A_90 = arith.constant 0 : i32
        %scan3A_91 = arith.constant 4 : i32
        %scan3A_92 = arith.addi %scan3A_90, %scan3A_91 : i32
        %scan3A_93 = arith.constant 1 : i32
        scf.for %scan3A_139 = %scan3A_90 to %scan3A_92 step %scan3A_93  : i32 {
          %mul3A_140 = arith.constant 16 : i32
          %mul3A_141 = arith.muli %scan3A_139, %mul3A_140 : i32
          %get3A = arith.index_cast %add3A_88 : i32 to index
          %get3A_142 = arith.index_cast %mul3A_141 : i32 to index
          %get3A_143 = tpu.vector_load %arg12[%get3A, %get3A_142] {strides = array<i32>} : memref<40x64xi32, #tpu.memory_space<vmem>>, vector<16xi32>,
          %swap3A = arith.index_cast %mul3A_141 : i32 to index
          %swap3A_144 = tpu.vector_load %arg15[%swap3A] {strides = array<i32>} : memref<64xi32, #tpu.memory_space<vmem>>, vector<16xi32>,
          tpu.vector_store %arg15[%swap3A], %get3A_143 {strides = array<i32>} : memref<64xi32, #tpu.memory_space<vmem>>, vector<16xi32>,
          %gather3A = tpu.vector_load_idx %arg9[%get3A_143] : memref<10240xf32, #tpu.memory_space<vmem>>[vector<16xi32>], vector<16xf32>,
          %mul3A_145 = arith.constant 64 : i32
          %mul3A_146 = arith.muli %add3A_88, %mul3A_145 : i32
          %mul3A_147 = arith.constant 16 : i32
          %mul3A_148 = arith.muli %scan3A_139, %mul3A_147 : i32
          %add3A_149 = arith.addi %mul3A_146, %mul3A_148 : i32
          %get3A_150 = arith.index_cast %add3A_149 : i32 to index
          %get3A_151 = tpu.vector_load %arg11[%get3A_150] {strides = array<i32>} : memref<2560xf32, #tpu.memory_space<vmem>>, vector<16xf32>,
          %sub3A_152 = arith.subf %get3A_151, %gather3A : vector<16xf32>
          %exp3A = math.exp %sub3A_152 : vector<16xf32>
          %swap3A_153 = arith.index_cast %mul3A_141 : i32 to index
          %swap3A_154 = tpu.vector_load %arg13[%swap3A_153] {strides = array<i32>} : memref<64xf32, #tpu.memory_space<vmem>>, vector<16xf32>,
          tpu.vector_store %arg13[%swap3A_153], %exp3A {strides = array<i32>} : memref<64xf32, #tpu.memory_space<vmem>>, vector<16xf32>,
        }
        %scan3A_94 = arith.constant 4 : i32
        %dma_wait3A = arith.constant 0 : i32
        %dma_wait3A_95 = arith.constant 0 : i32
        %dma_wait3A_96 = tpu.memref_slice %arg6[%dma_wait3A, %dma_wait3A_95] : memref<10240x128xf32, #tpu.memory_space<hbm>> -> memref<64x128xf32, #tpu.memory_space<hbm>>
        %dma_wait3A_97 = arith.constant 0 : i32
        %dma_wait3A_98 = arith.constant 0 : i32
        %dma_wait3A_99 = tpu.memref_slice %arg6[%dma_wait3A_97, %dma_wait3A_98] : memref<10240x128xf32, #tpu.memory_space<hbm>> -> memref<64x128xf32, #tpu.memory_space<hbm>>
        tpu.wait_dma2 semaphore(%arg22 : memref<!tpu.dma_semaphore, #tpu.memory_space<semaphore_mem>>) src(%dma_wait3A_99 : memref<64x128xf32, #tpu.memory_space<hbm>>) dst(%arg17 : memref<64x128xf32, #tpu.memory_space<vmem>>)
        %scan3A_100 = arith.constant 0 : i32
        %scan3A_101 = arith.constant 0 : i32
        %scan3A_102 = arith.constant 64 : i32
        %scan3A_103 = arith.addi %scan3A_101, %scan3A_102 : i32
        %scan3A_104 = arith.constant 1 : i32
        scf.for %scan3A_139 = %scan3A_101 to %scan3A_103 step %scan3A_104  : i32 {
          %broadcast_in_dim3A = arith.constant 0 : i32
          %broadcast_in_dim3A_140 = vector.broadcast %broadcast_in_dim3A : i32 to vector<16xi32>
          %add3A_141 = vector.broadcast %scan3A_139 : i32 to vector<16xi32>
          %add3A_142 = arith.addi %broadcast_in_dim3A_140, %add3A_141 : vector<16xi32>
          %gather3A = tpu.vector_load_idx %arg13[%add3A_142] : memref<64xf32, #tpu.memory_space<vmem>>[vector<16xi32>], vector<16xf32>,
          %get3A = arith.index_cast %scan3A_139 : i32 to index
          %get3A_143 = arith.constant 0 : index
          %get3A_144 = tpu.vector_load %arg17[%get3A, %get3A_143] {strides = array<i32>} : memref<64x128xf32, #tpu.memory_space<vmem>>, vector<16xf32>,
          %mul3A_145 = arith.mulf %get3A_144, %gather3A : vector<16xf32>
          %swap3A = arith.index_cast %scan3A_139 : i32 to index
          %swap3A_146 = arith.constant 0 : index
          %swap3A_147 = tpu.vector_load %arg17[%swap3A, %swap3A_146] {strides = array<i32>} : memref<64x128xf32, #tpu.memory_space<vmem>>, vector<16xf32>,
          tpu.vector_store %arg17[%swap3A, %swap3A_146], %mul3A_145 {strides = array<i32>} : memref<64x128xf32, #tpu.memory_space<vmem>>, vector<16xf32>,
          %get3A_148 = arith.index_cast %scan3A_139 : i32 to index
          %get3A_149 = arith.constant 16 : index
          %get3A_150 = tpu.vector_load %arg17[%get3A_148, %get3A_149] {strides = array<i32>} : memref<64x128xf32, #tpu.memory_space<vmem>>, vector<16xf32>,
          %mul3A_151 = arith.mulf %get3A_150, %gather3A : vector<16xf32>
          %swap3A_152 = arith.index_cast %scan3A_139 : i32 to index
          %swap3A_153 = arith.constant 16 : index
          %swap3A_154 = tpu.vector_load %arg17[%swap3A_152, %swap3A_153] {strides = array<i32>} : memref<64x128xf32, #tpu.memory_space<vmem>>, vector<16xf32>,
          tpu.vector_store %arg17[%swap3A_152, %swap3A_153], %mul3A_151 {strides = array<i32>} : memref<64x128xf32, #tpu.memory_space<vmem>>, vector<16xf32>,
          %get3A_155 = arith.index_cast %scan3A_139 : i32 to index
          %get3A_156 = arith.constant 32 : index
          %get3A_157 = tpu.vector_load %arg17[%get3A_155, %get3A_156] {strides = array<i32>} : memref<64x128xf32, #tpu.memory_space<vmem>>, vector<16xf32>,
          %mul3A_158 = arith.mulf %get3A_157, %gather3A : vector<16xf32>
          %swap3A_159 = arith.index_cast %scan3A_139 : i32 to index
          %swap3A_160 = arith.constant 32 : index
          %swap3A_161 = tpu.vector_load %arg17[%swap3A_159, %swap3A_160] {strides = array<i32>} : memref<64x128xf32, #tpu.memory_space<vmem>>, vector<16xf32>,
          tpu.vector_store %arg17[%swap3A_159, %swap3A_160], %mul3A_158 {strides = array<i32>} : memref<64x128xf32, #tpu.memory_space<vmem>>, vector<16xf32>,
          %get3A_162 = arith.index_cast %scan3A_139 : i32 to index
          %get3A_163 = arith.constant 48 : index
          %get3A_164 = tpu.vector_load %arg17[%get3A_162, %get3A_163] {strides = array<i32>} : memref<64x128xf32, #tpu.memory_space<vmem>>, vector<16xf32>,
          %mul3A_165 = arith.mulf %get3A_164, %gather3A : vector<16xf32>
          %swap3A_166 = arith.index_cast %scan3A_139 : i32 to index
          %swap3A_167 = arith.constant 48 : index
          %swap3A_168 = tpu.vector_load %arg17[%swap3A_166, %swap3A_167] {strides = array<i32>} : memref<64x128xf32, #tpu.memory_space<vmem>>, vector<16xf32>,
          tpu.vector_store %arg17[%swap3A_166, %swap3A_167], %mul3A_165 {strides = array<i32>} : memref<64x128xf32, #tpu.memory_space<vmem>>, vector<16xf32>,
          %get3A_169 = arith.index_cast %scan3A_139 : i32 to index
          %get3A_170 = arith.constant 64 : index
          %get3A_171 = tpu.vector_load %arg17[%get3A_169, %get3A_170] {strides = array<i32>} : memref<64x128xf32, #tpu.memory_space<vmem>>, vector<16xf32>,
          %mul3A_172 = arith.mulf %get3A_171, %gather3A : vector<16xf32>
          %swap3A_173 = arith.index_cast %scan3A_139 : i32 to index
          %swap3A_174 = arith.constant 64 : index
          %swap3A_175 = tpu.vector_load %arg17[%swap3A_173, %swap3A_174] {strides = array<i32>} : memref<64x128xf32, #tpu.memory_space<vmem>>, vector<16xf32>,
          tpu.vector_store %arg17[%swap3A_173, %swap3A_174], %mul3A_172 {strides = array<i32>} : memref<64x128xf32, #tpu.memory_space<vmem>>, vector<16xf32>,
          %get3A_176 = arith.index_cast %scan3A_139 : i32 to index
          %get3A_177 = arith.constant 80 : index
          %get3A_178 = tpu.vector_load %arg17[%get3A_176, %get3A_177] {strides = array<i32>} : memref<64x128xf32, #tpu.memory_space<vmem>>, vector<16xf32>,
          %mul3A_179 = arith.mulf %get3A_178, %gather3A : vector<16xf32>
          %swap3A_180 = arith.index_cast %scan3A_139 : i32 to index
          %swap3A_181 = arith.constant 80 : index
          %swap3A_182 = tpu.vector_load %arg17[%swap3A_180, %swap3A_181] {strides = array<i32>} : memref<64x128xf32, #tpu.memory_space<vmem>>, vector<16xf32>,
          tpu.vector_store %arg17[%swap3A_180, %swap3A_181], %mul3A_179 {strides = array<i32>} : memref<64x128xf32, #tpu.memory_space<vmem>>, vector<16xf32>,
          %get3A_183 = arith.index_cast %scan3A_139 : i32 to index
          %get3A_184 = arith.constant 96 : index
          %get3A_185 = tpu.vector_load %arg17[%get3A_183, %get3A_184] {strides = array<i32>} : memref<64x128xf32, #tpu.memory_space<vmem>>, vector<16xf32>,
          %mul3A_186 = arith.mulf %get3A_185, %gather3A : vector<16xf32>
          %swap3A_187 = arith.index_cast %scan3A_139 : i32 to index
          %swap3A_188 = arith.constant 96 : index
          %swap3A_189 = tpu.vector_load %arg17[%swap3A_187, %swap3A_188] {strides = array<i32>} : memref<64x128xf32, #tpu.memory_space<vmem>>, vector<16xf32>,
          tpu.vector_store %arg17[%swap3A_187, %swap3A_188], %mul3A_186 {strides = array<i32>} : memref<64x128xf32, #tpu.memory_space<vmem>>, vector<16xf32>,
          %get3A_190 = arith.index_cast %scan3A_139 : i32 to index
          %get3A_191 = arith.constant 112 : index
          %get3A_192 = tpu.vector_load %arg17[%get3A_190, %get3A_191] {strides = array<i32>} : memref<64x128xf32, #tpu.memory_space<vmem>>, vector<16xf32>,
          %mul3A_193 = arith.mulf %get3A_192, %gather3A : vector<16xf32>
          %swap3A_194 = arith.index_cast %scan3A_139 : i32 to index
          %swap3A_195 = arith.constant 112 : index
          %swap3A_196 = tpu.vector_load %arg17[%swap3A_194, %swap3A_195] {strides = array<i32>} : memref<64x128xf32, #tpu.memory_space<vmem>>, vector<16xf32>,
          tpu.vector_store %arg17[%swap3A_194, %swap3A_195], %mul3A_193 {strides = array<i32>} : memref<64x128xf32, #tpu.memory_space<vmem>>, vector<16xf32>,
        }
        %scan3A_105 = arith.constant 64 : i32
        "tpu.region"() ({
          %run_scoped3A_139 = tpu.sem_alloc : memref<!tpu.dma_semaphore, #tpu.memory_space<semaphore_mem>>
          %dma_start3A_140 = arith.constant 0 : i32
          %dma_start3A_141 = tpu.memref_slice %arg21[%dma_start3A_140] : memref<10240xf32, #tpu.memory_space<vmem_shared>> -> memref<10240xf32, #tpu.memory_space<vmem_shared>>
          tpu.enqueue_indirect_dma source(%arg13 : memref<64xf32, #tpu.memory_space<vmem>>) target(%dma_start3A_141 : memref<10240xf32, #tpu.memory_space<vmem_shared>>) offsets(%arg15 : memref<64xi32, #tpu.memory_space<vmem>>) semaphore(%run_scoped3A_139 : memref<!tpu.dma_semaphore, #tpu.memory_space<semaphore_mem>>) {add = true}
          %dma_wait3A_142 = arith.constant 0 : i32
          %dma_wait3A_143 = tpu.memref_slice %arg21[%dma_wait3A_142] : memref<10240xf32, #tpu.memory_space<vmem_shared>> -> memref<10240xf32, #tpu.memory_space<vmem_shared>>
          tpu.wait_indirect_dma semaphore(%run_scoped3A_139 : memref<!tpu.dma_semaphore, #tpu.memory_space<semaphore_mem>>) src(%arg13 : memref<64xf32, #tpu.memory_space<vmem>>) dst(%dma_wait3A_143 : memref<10240xf32, #tpu.memory_space<vmem_shared>>)
          tpu.yield
        }) : () -> ()
        "tpu.region"() ({
          %run_scoped3A_139 = tpu.sem_alloc : memref<!tpu.dma_semaphore, #tpu.memory_space<semaphore_mem>>
          %dma_start3A_140 = arith.constant 0 : i32
          %dma_start3A_141 = arith.constant 0 : i32
          %dma_start3A_142 = tpu.memref_slice %arg20[%dma_start3A_140, %dma_start3A_141] : memref<10240x128xf32, #tpu.memory_space<vmem_shared>> -> memref<10240x128xf32, #tpu.memory_space<vmem_shared>>
          tpu.enqueue_indirect_dma source(%arg17 : memref<64x128xf32, #tpu.memory_space<vmem>>) target(%dma_start3A_142 : memref<10240x128xf32, #tpu.memory_space<vmem_shared>>) offsets(%arg15 : memref<64xi32, #tpu.memory_space<vmem>>) semaphore(%run_scoped3A_139 : memref<!tpu.dma_semaphore, #tpu.memory_space<semaphore_mem>>) {add = true}
          %dma_wait3A_143 = arith.constant 0 : i32
          %dma_wait3A_144 = arith.constant 0 : i32
          %dma_wait3A_145 = tpu.memref_slice %arg20[%dma_wait3A_143, %dma_wait3A_144] : memref<10240x128xf32, #tpu.memory_space<vmem_shared>> -> memref<10240x128xf32, #tpu.memory_space<vmem_shared>>
          tpu.wait_indirect_dma semaphore(%run_scoped3A_139 : memref<!tpu.dma_semaphore, #tpu.memory_space<semaphore_mem>>) src(%arg17 : memref<64x128xf32, #tpu.memory_space<vmem>>) dst(%dma_wait3A_145 : memref<10240x128xf32, #tpu.memory_space<vmem_shared>>)
          tpu.yield
        }) : () -> ()
        %add3A_106 = arith.constant 2 : i32
        %add3A_107 = arith.addi %add3A_88, %add3A_106 : i32
        %lt3A = arith.constant 40 : i32
        %lt3A_108 = arith.cmpi slt, %add3A_107, %lt3A : i32
        %convert_element_type3A = arith.extui %lt3A_108 : i1 to i32
        %cond3A = arith.constant 0 : i32
        %cond3A_109 = arith.cmpi ne, %convert_element_type3A, %cond3A : i32
        scf.if %cond3A_109 {
          %add3A_139 = arith.constant 2 : i32
          %add3A_140 = arith.addi %add3A_88, %add3A_139 : i32
          %mul3A_141 = arith.constant 64 : i32
          %mul3A_142 = arith.muli %add3A_140, %mul3A_141 : i32
          %dma_start3A_143 = tpu.memref_slice %arg10[%mul3A_142] : memref<2560xi32, #tpu.memory_space<vmem>> -> memref<64xi32, #tpu.memory_space<vmem>>
          %dma_start3A_144 = arith.constant 0 : i32
          %dma_start3A_145 = arith.constant 0 : i32
          %dma_start3A_146 = tpu.memref_slice %arg6[%dma_start3A_144, %dma_start3A_145] : memref<10240x128xf32, #tpu.memory_space<hbm>> -> memref<10240x128xf32, #tpu.memory_space<hbm>>
          tpu.enqueue_indirect_dma source(%dma_start3A_146 : memref<10240x128xf32, #tpu.memory_space<hbm>>) target(%arg17 : memref<64x128xf32, #tpu.memory_space<vmem>>) offsets(%dma_start3A_143 : memref<64xi32, #tpu.memory_space<vmem>>) semaphore(%arg22 : memref<!tpu.dma_semaphore, #tpu.memory_space<semaphore_mem>>)
        } else {
        }
        %mul3A_110 = arith.constant 2 : i32
        %mul3A_111 = arith.muli %mul3A_110, %scan3A_84 : i32
        %add3A_112 = arith.constant 1 : i32
        %add3A_113 = arith.addi %mul3A_111, %add3A_112 : i32
        %scan3A_114 = arith.constant 0 : i32
        %scan3A_115 = arith.constant 0 : i32
        %scan3A_116 = arith.constant 4 : i32
        %scan3A_117 = arith.addi %scan3A_115, %scan3A_116 : i32
        %scan3A_118 = arith.constant 1 : i32
        scf.for %scan3A_139 = %scan3A_115 to %scan3A_117 step %scan3A_118  : i32 {
          %mul3A_140 = arith.constant 16 : i32
          %mul3A_141 = arith.muli %scan3A_139, %mul3A_140 : i32
          %get3A = arith.index_cast %add3A_113 : i32 to index
          %get3A_142 = arith.index_cast %mul3A_141 : i32 to index
          %get3A_143 = tpu.vector_load %arg12[%get3A, %get3A_142] {strides = array<i32>} : memref<40x64xi32, #tpu.memory_space<vmem>>, vector<16xi32>,
          %swap3A = arith.index_cast %mul3A_141 : i32 to index
          %swap3A_144 = tpu.vector_load %arg16[%swap3A] {strides = array<i32>} : memref<64xi32, #tpu.memory_space<vmem>>, vector<16xi32>,
          tpu.vector_store %arg16[%swap3A], %get3A_143 {strides = array<i32>} : memref<64xi32, #tpu.memory_space<vmem>>, vector<16xi32>,
          %gather3A = tpu.vector_load_idx %arg9[%get3A_143] : memref<10240xf32, #tpu.memory_space<vmem>>[vector<16xi32>], vector<16xf32>,
          %mul3A_145 = arith.constant 64 : i32
          %mul3A_146 = arith.muli %add3A_113, %mul3A_145 : i32
          %mul3A_147 = arith.constant 16 : i32
          %mul3A_148 = arith.muli %scan3A_139, %mul3A_147 : i32
          %add3A_149 = arith.addi %mul3A_146, %mul3A_148 : i32
          %get3A_150 = arith.index_cast %add3A_149 : i32 to index
          %get3A_151 = tpu.vector_load %arg11[%get3A_150] {strides = array<i32>} : memref<2560xf32, #tpu.memory_space<vmem>>, vector<16xf32>,
          %sub3A_152 = arith.subf %get3A_151, %gather3A : vector<16xf32>
          %exp3A = math.exp %sub3A_152 : vector<16xf32>
          %swap3A_153 = arith.index_cast %mul3A_141 : i32 to index
          %swap3A_154 = tpu.vector_load %arg14[%swap3A_153] {strides = array<i32>} : memref<64xf32, #tpu.memory_space<vmem>>, vector<16xf32>,
          tpu.vector_store %arg14[%swap3A_153], %exp3A {strides = array<i32>} : memref<64xf32, #tpu.memory_space<vmem>>, vector<16xf32>,
        }
        %scan3A_119 = arith.constant 4 : i32
        %dma_wait3A_120 = arith.constant 0 : i32
        %dma_wait3A_121 = arith.constant 0 : i32
        %dma_wait3A_122 = tpu.memref_slice %arg6[%dma_wait3A_120, %dma_wait3A_121] : memref<10240x128xf32, #tpu.memory_space<hbm>> -> memref<64x128xf32, #tpu.memory_space<hbm>>
        %dma_wait3A_123 = arith.constant 0 : i32
        %dma_wait3A_124 = arith.constant 0 : i32
        %dma_wait3A_125 = tpu.memref_slice %arg6[%dma_wait3A_123, %dma_wait3A_124] : memref<10240x128xf32, #tpu.memory_space<hbm>> -> memref<64x128xf32, #tpu.memory_space<hbm>>
        tpu.wait_dma2 semaphore(%arg23 : memref<!tpu.dma_semaphore, #tpu.memory_space<semaphore_mem>>) src(%dma_wait3A_125 : memref<64x128xf32, #tpu.memory_space<hbm>>) dst(%arg18 : memref<64x128xf32, #tpu.memory_space<vmem>>)
        %scan3A_126 = arith.constant 0 : i32
        %scan3A_127 = arith.constant 0 : i32
        %scan3A_128 = arith.constant 64 : i32
        %scan3A_129 = arith.addi %scan3A_127, %scan3A_128 : i32
        %scan3A_130 = arith.constant 1 : i32
        scf.for %scan3A_139 = %scan3A_127 to %scan3A_129 step %scan3A_130  : i32 {
          %broadcast_in_dim3A = arith.constant 0 : i32
          %broadcast_in_dim3A_140 = vector.broadcast %broadcast_in_dim3A : i32 to vector<16xi32>
          %add3A_141 = vector.broadcast %scan3A_139 : i32 to vector<16xi32>
          %add3A_142 = arith.addi %broadcast_in_dim3A_140, %add3A_141 : vector<16xi32>
          %gather3A = tpu.vector_load_idx %arg14[%add3A_142] : memref<64xf32, #tpu.memory_space<vmem>>[vector<16xi32>], vector<16xf32>,
          %get3A = arith.index_cast %scan3A_139 : i32 to index
          %get3A_143 = arith.constant 0 : index
          %get3A_144 = tpu.vector_load %arg18[%get3A, %get3A_143] {strides = array<i32>} : memref<64x128xf32, #tpu.memory_space<vmem>>, vector<16xf32>,
          %mul3A_145 = arith.mulf %get3A_144, %gather3A : vector<16xf32>
          %swap3A = arith.index_cast %scan3A_139 : i32 to index
          %swap3A_146 = arith.constant 0 : index
          %swap3A_147 = tpu.vector_load %arg18[%swap3A, %swap3A_146] {strides = array<i32>} : memref<64x128xf32, #tpu.memory_space<vmem>>, vector<16xf32>,
          tpu.vector_store %arg18[%swap3A, %swap3A_146], %mul3A_145 {strides = array<i32>} : memref<64x128xf32, #tpu.memory_space<vmem>>, vector<16xf32>,
          %get3A_148 = arith.index_cast %scan3A_139 : i32 to index
          %get3A_149 = arith.constant 16 : index
          %get3A_150 = tpu.vector_load %arg18[%get3A_148, %get3A_149] {strides = array<i32>} : memref<64x128xf32, #tpu.memory_space<vmem>>, vector<16xf32>,
          %mul3A_151 = arith.mulf %get3A_150, %gather3A : vector<16xf32>
          %swap3A_152 = arith.index_cast %scan3A_139 : i32 to index
          %swap3A_153 = arith.constant 16 : index
          %swap3A_154 = tpu.vector_load %arg18[%swap3A_152, %swap3A_153] {strides = array<i32>} : memref<64x128xf32, #tpu.memory_space<vmem>>, vector<16xf32>,
          tpu.vector_store %arg18[%swap3A_152, %swap3A_153], %mul3A_151 {strides = array<i32>} : memref<64x128xf32, #tpu.memory_space<vmem>>, vector<16xf32>,
          %get3A_155 = arith.index_cast %scan3A_139 : i32 to index
          %get3A_156 = arith.constant 32 : index
          %get3A_157 = tpu.vector_load %arg18[%get3A_155, %get3A_156] {strides = array<i32>} : memref<64x128xf32, #tpu.memory_space<vmem>>, vector<16xf32>,
          %mul3A_158 = arith.mulf %get3A_157, %gather3A : vector<16xf32>
          %swap3A_159 = arith.index_cast %scan3A_139 : i32 to index
          %swap3A_160 = arith.constant 32 : index
          %swap3A_161 = tpu.vector_load %arg18[%swap3A_159, %swap3A_160] {strides = array<i32>} : memref<64x128xf32, #tpu.memory_space<vmem>>, vector<16xf32>,
          tpu.vector_store %arg18[%swap3A_159, %swap3A_160], %mul3A_158 {strides = array<i32>} : memref<64x128xf32, #tpu.memory_space<vmem>>, vector<16xf32>,
          %get3A_162 = arith.index_cast %scan3A_139 : i32 to index
          %get3A_163 = arith.constant 48 : index
          %get3A_164 = tpu.vector_load %arg18[%get3A_162, %get3A_163] {strides = array<i32>} : memref<64x128xf32, #tpu.memory_space<vmem>>, vector<16xf32>,
          %mul3A_165 = arith.mulf %get3A_164, %gather3A : vector<16xf32>
          %swap3A_166 = arith.index_cast %scan3A_139 : i32 to index
          %swap3A_167 = arith.constant 48 : index
          %swap3A_168 = tpu.vector_load %arg18[%swap3A_166, %swap3A_167] {strides = array<i32>} : memref<64x128xf32, #tpu.memory_space<vmem>>, vector<16xf32>,
          tpu.vector_store %arg18[%swap3A_166, %swap3A_167], %mul3A_165 {strides = array<i32>} : memref<64x128xf32, #tpu.memory_space<vmem>>, vector<16xf32>,
          %get3A_169 = arith.index_cast %scan3A_139 : i32 to index
          %get3A_170 = arith.constant 64 : index
          %get3A_171 = tpu.vector_load %arg18[%get3A_169, %get3A_170] {strides = array<i32>} : memref<64x128xf32, #tpu.memory_space<vmem>>, vector<16xf32>,
          %mul3A_172 = arith.mulf %get3A_171, %gather3A : vector<16xf32>
          %swap3A_173 = arith.index_cast %scan3A_139 : i32 to index
          %swap3A_174 = arith.constant 64 : index
          %swap3A_175 = tpu.vector_load %arg18[%swap3A_173, %swap3A_174] {strides = array<i32>} : memref<64x128xf32, #tpu.memory_space<vmem>>, vector<16xf32>,
          tpu.vector_store %arg18[%swap3A_173, %swap3A_174], %mul3A_172 {strides = array<i32>} : memref<64x128xf32, #tpu.memory_space<vmem>>, vector<16xf32>,
          %get3A_176 = arith.index_cast %scan3A_139 : i32 to index
          %get3A_177 = arith.constant 80 : index
          %get3A_178 = tpu.vector_load %arg18[%get3A_176, %get3A_177] {strides = array<i32>} : memref<64x128xf32, #tpu.memory_space<vmem>>, vector<16xf32>,
          %mul3A_179 = arith.mulf %get3A_178, %gather3A : vector<16xf32>
          %swap3A_180 = arith.index_cast %scan3A_139 : i32 to index
          %swap3A_181 = arith.constant 80 : index
          %swap3A_182 = tpu.vector_load %arg18[%swap3A_180, %swap3A_181] {strides = array<i32>} : memref<64x128xf32, #tpu.memory_space<vmem>>, vector<16xf32>,
          tpu.vector_store %arg18[%swap3A_180, %swap3A_181], %mul3A_179 {strides = array<i32>} : memref<64x128xf32, #tpu.memory_space<vmem>>, vector<16xf32>,
          %get3A_183 = arith.index_cast %scan3A_139 : i32 to index
          %get3A_184 = arith.constant 96 : index
          %get3A_185 = tpu.vector_load %arg18[%get3A_183, %get3A_184] {strides = array<i32>} : memref<64x128xf32, #tpu.memory_space<vmem>>, vector<16xf32>,
          %mul3A_186 = arith.mulf %get3A_185, %gather3A : vector<16xf32>
          %swap3A_187 = arith.index_cast %scan3A_139 : i32 to index
          %swap3A_188 = arith.constant 96 : index
          %swap3A_189 = tpu.vector_load %arg18[%swap3A_187, %swap3A_188] {strides = array<i32>} : memref<64x128xf32, #tpu.memory_space<vmem>>, vector<16xf32>,
          tpu.vector_store %arg18[%swap3A_187, %swap3A_188], %mul3A_186 {strides = array<i32>} : memref<64x128xf32, #tpu.memory_space<vmem>>, vector<16xf32>,
          %get3A_190 = arith.index_cast %scan3A_139 : i32 to index
          %get3A_191 = arith.constant 112 : index
          %get3A_192 = tpu.vector_load %arg18[%get3A_190, %get3A_191] {strides = array<i32>} : memref<64x128xf32, #tpu.memory_space<vmem>>, vector<16xf32>,
          %mul3A_193 = arith.mulf %get3A_192, %gather3A : vector<16xf32>
          %swap3A_194 = arith.index_cast %scan3A_139 : i32 to index
          %swap3A_195 = arith.constant 112 : index
          %swap3A_196 = tpu.vector_load %arg18[%swap3A_194, %swap3A_195] {strides = array<i32>} : memref<64x128xf32, #tpu.memory_space<vmem>>, vector<16xf32>,
          tpu.vector_store %arg18[%swap3A_194, %swap3A_195], %mul3A_193 {strides = array<i32>} : memref<64x128xf32, #tpu.memory_space<vmem>>, vector<16xf32>,
        }
        %scan3A_131 = arith.constant 64 : i32
        "tpu.region"() ({
          %run_scoped3A_139 = tpu.sem_alloc : memref<!tpu.dma_semaphore, #tpu.memory_space<semaphore_mem>>
          %dma_start3A_140 = arith.constant 0 : i32
          %dma_start3A_141 = tpu.memref_slice %arg21[%dma_start3A_140] : memref<10240xf32, #tpu.memory_space<vmem_shared>> -> memref<10240xf32, #tpu.memory_space<vmem_shared>>
          tpu.enqueue_indirect_dma source(%arg14 : memref<64xf32, #tpu.memory_space<vmem>>) target(%dma_start3A_141 : memref<10240xf32, #tpu.memory_space<vmem_shared>>) offsets(%arg16 : memref<64xi32, #tpu.memory_space<vmem>>) semaphore(%run_scoped3A_139 : memref<!tpu.dma_semaphore, #tpu.memory_space<semaphore_mem>>) {add = true}
          %dma_wait3A_142 = arith.constant 0 : i32
          %dma_wait3A_143 = tpu.memref_slice %arg21[%dma_wait3A_142] : memref<10240xf32, #tpu.memory_space<vmem_shared>> -> memref<10240xf32, #tpu.memory_space<vmem_shared>>
          tpu.wait_indirect_dma semaphore(%run_scoped3A_139 : memref<!tpu.dma_semaphore, #tpu.memory_space<semaphore_mem>>) src(%arg14 : memref<64xf32, #tpu.memory_space<vmem>>) dst(%dma_wait3A_143 : memref<10240xf32, #tpu.memory_space<vmem_shared>>)
          tpu.yield
        }) : () -> ()
        "tpu.region"() ({
          %run_scoped3A_139 = tpu.sem_alloc : memref<!tpu.dma_semaphore, #tpu.memory_space<semaphore_mem>>
          %dma_start3A_140 = arith.constant 0 : i32
          %dma_start3A_141 = arith.constant 0 : i32
          %dma_start3A_142 = tpu.memref_slice %arg20[%dma_start3A_140, %dma_start3A_141] : memref<10240x128xf32, #tpu.memory_space<vmem_shared>> -> memref<10240x128xf32, #tpu.memory_space<vmem_shared>>
          tpu.enqueue_indirect_dma source(%arg18 : memref<64x128xf32, #tpu.memory_space<vmem>>) target(%dma_start3A_142 : memref<10240x128xf32, #tpu.memory_space<vmem_shared>>) offsets(%arg16 : memref<64xi32, #tpu.memory_space<vmem>>) semaphore(%run_scoped3A_139 : memref<!tpu.dma_semaphore, #tpu.memory_space<semaphore_mem>>) {add = true}
          %dma_wait3A_143 = arith.constant 0 : i32
          %dma_wait3A_144 = arith.constant 0 : i32
          %dma_wait3A_145 = tpu.memref_slice %arg20[%dma_wait3A_143, %dma_wait3A_144] : memref<10240x128xf32, #tpu.memory_space<vmem_shared>> -> memref<10240x128xf32, #tpu.memory_space<vmem_shared>>
          tpu.wait_indirect_dma semaphore(%run_scoped3A_139 : memref<!tpu.dma_semaphore, #tpu.memory_space<semaphore_mem>>) src(%arg18 : memref<64x128xf32, #tpu.memory_space<vmem>>) dst(%dma_wait3A_145 : memref<10240x128xf32, #tpu.memory_space<vmem_shared>>)
          tpu.yield
        }) : () -> ()
        %add3A_132 = arith.constant 2 : i32
        %add3A_133 = arith.addi %add3A_113, %add3A_132 : i32
        %lt3A_134 = arith.constant 40 : i32
        %lt3A_135 = arith.cmpi slt, %add3A_133, %lt3A_134 : i32
        %convert_element_type3A_136 = arith.extui %lt3A_135 : i1 to i32
        %cond3A_137 = arith.constant 0 : i32
        %cond3A_138 = arith.cmpi ne, %convert_element_type3A_136, %cond3A_137 : i32
        scf.if %cond3A_138 {
          %add3A_139 = arith.constant 2 : i32
          %add3A_140 = arith.addi %add3A_113, %add3A_139 : i32
          %mul3A_141 = arith.constant 64 : i32
          %mul3A_142 = arith.muli %add3A_140, %mul3A_141 : i32
          %dma_start3A_143 = tpu.memref_slice %arg10[%mul3A_142] : memref<2560xi32, #tpu.memory_space<vmem>> -> memref<64xi32, #tpu.memory_space<vmem>>
          %dma_start3A_144 = arith.constant 0 : i32
          %dma_start3A_145 = arith.constant 0 : i32
          %dma_start3A_146 = tpu.memref_slice %arg6[%dma_start3A_144, %dma_start3A_145] : memref<10240x128xf32, #tpu.memory_space<hbm>> -> memref<10240x128xf32, #tpu.memory_space<hbm>>
          tpu.enqueue_indirect_dma source(%dma_start3A_146 : memref<10240x128xf32, #tpu.memory_space<hbm>>) target(%arg18 : memref<64x128xf32, #tpu.memory_space<vmem>>) offsets(%dma_start3A_143 : memref<64xi32, #tpu.memory_space<vmem>>) semaphore(%arg23 : memref<!tpu.dma_semaphore, #tpu.memory_space<semaphore_mem>>)
        } else {
        }
      }
      %scan3A_83 = arith.constant 20 : i32
    }
    %barrier3A_43 = arith.constant 0 : index
    tpu.barrier barrier_id(%barrier3A_43)
    %mul3A_44 = arith.constant 640 : i32
    %mul3A_45 = arith.muli %arg1, %mul3A_44 : i32
    "tpu.region"() ({
      %run_scoped3A_46 = tpu.sem_alloc : memref<!tpu.dma_semaphore, #tpu.memory_space<semaphore_mem>>
      %dma_start3A = arith.constant 0 : i32
      %dma_start3A_47 = tpu.memref_slice %arg7[%arg0, %mul3A_45, %dma_start3A] : memref<2x10240x128xf32, #tpu.memory_space<hbm>> -> memref<1x640x128xf32, #tpu.memory_space<hbm>>
      %dma_start3A_48 = tpu.memref_squeeze %dma_start3A_47 : memref<1x640x128xf32, #tpu.memory_space<hbm>> -> memref<640x128xf32, #tpu.memory_space<hbm>>
      %dma_start3A_49 = arith.constant 0 : i32
      %dma_start3A_50 = tpu.memref_slice %arg20[%mul3A_45, %dma_start3A_49] : memref<10240x128xf32, #tpu.memory_space<vmem_shared>> -> memref<640x128xf32, #tpu.memory_space<vmem_shared>>
      tpu.enqueue_dma source(%dma_start3A_50 : memref<640x128xf32, #tpu.memory_space<vmem_shared>>) target(%dma_start3A_48 : memref<640x128xf32, #tpu.memory_space<hbm>>) target_semaphore(%run_scoped3A_46 : memref<!tpu.dma_semaphore, #tpu.memory_space<semaphore_mem>>)
      %dma_wait3A = arith.constant 0 : i32
      %dma_wait3A_51 = tpu.memref_slice %arg7[%arg0, %mul3A_45, %dma_wait3A] : memref<2x10240x128xf32, #tpu.memory_space<hbm>> -> memref<1x640x128xf32, #tpu.memory_space<hbm>>
      %dma_wait3A_52 = tpu.memref_squeeze %dma_wait3A_51 : memref<1x640x128xf32, #tpu.memory_space<hbm>> -> memref<640x128xf32, #tpu.memory_space<hbm>>
      %dma_wait3A_53 = arith.constant 0 : i32
      %dma_wait3A_54 = tpu.memref_slice %arg20[%mul3A_45, %dma_wait3A_53] : memref<10240x128xf32, #tpu.memory_space<vmem_shared>> -> memref<640x128xf32, #tpu.memory_space<vmem_shared>>
      tpu.wait_dma2 semaphore(%run_scoped3A_46 : memref<!tpu.dma_semaphore, #tpu.memory_space<semaphore_mem>>) src(%dma_wait3A_54 : memref<640x128xf32, #tpu.memory_space<vmem_shared>>) dst(%dma_wait3A_52 : memref<640x128xf32, #tpu.memory_space<hbm>>)
      tpu.yield
    }) : () -> ()
    "tpu.region"() ({
      %run_scoped3A_46 = tpu.sem_alloc : memref<!tpu.dma_semaphore, #tpu.memory_space<semaphore_mem>>
      %dma_start3A = tpu.memref_slice %arg8[%arg0, %mul3A_45] : memref<2x10240xf32, #tpu.memory_space<hbm>> -> memref<1x640xf32, #tpu.memory_space<hbm>>
      %dma_start3A_47 = tpu.memref_squeeze %dma_start3A : memref<1x640xf32, #tpu.memory_space<hbm>> -> memref<640xf32, #tpu.memory_space<hbm>>
      %dma_start3A_48 = tpu.memref_slice %arg21[%mul3A_45] : memref<10240xf32, #tpu.memory_space<vmem_shared>> -> memref<640xf32, #tpu.memory_space<vmem_shared>>
      tpu.enqueue_dma source(%dma_start3A_48 : memref<640xf32, #tpu.memory_space<vmem_shared>>) target(%dma_start3A_47 : memref<640xf32, #tpu.memory_space<hbm>>) target_semaphore(%run_scoped3A_46 : memref<!tpu.dma_semaphore, #tpu.memory_space<semaphore_mem>>)
      %dma_wait3A = tpu.memref_slice %arg8[%arg0, %mul3A_45] : memref<2x10240xf32, #tpu.memory_space<hbm>> -> memref<1x640xf32, #tpu.memory_space<hbm>>
      %dma_wait3A_49 = tpu.memref_squeeze %dma_wait3A : memref<1x640xf32, #tpu.memory_space<hbm>> -> memref<640xf32, #tpu.memory_space<hbm>>
      %dma_wait3A_50 = tpu.memref_slice %arg21[%mul3A_45] : memref<10240xf32, #tpu.memory_space<vmem_shared>> -> memref<640xf32, #tpu.memory_space<vmem_shared>>
      tpu.wait_dma2 semaphore(%run_scoped3A_46 : memref<!tpu.dma_semaphore, #tpu.memory_space<semaphore_mem>>) src(%dma_wait3A_50 : memref<640xf32, #tpu.memory_space<vmem_shared>>) dst(%dma_wait3A_49 : memref<640xf32, #tpu.memory_space<hbm>>)
      tpu.yield
    }) : () -> ()
    return
  }
}

module attributes {stable_mosaic.version = 14 : i64} {
  func.func @_tc_node_body(%arg0: i32, %arg1: memref<512x128xf32, #tpu.memory_space<vmem>>, %arg2: memref<128x128xf32, #tpu.memory_space<vmem>>, %arg3: memref<2x128xf32, #tpu.memory_space<vmem>>, %arg4: memref<512x128xf32, #tpu.memory_space<vmem>>, %arg5: memref<512x2xf32, #tpu.memory_space<vmem>>) attributes {dimension_semantics = [#tpu.dimension_semantics<arbitrary>], iteration_bounds = array<i64: 20>, scalar_prefetch = 0 : i64, scratch_operands = 0 : i64, tpu.core_type = #tpu.core_type<tc>, window_params = [{transform_indices = @transform_0, window_bounds = array<i64: 512, 128>}, {pipeline_mode = #tpu.pipeline_mode<synchronous>, transform_indices = @transform_1, window_bounds = array<i64: 128, 128>}, {pipeline_mode = #tpu.pipeline_mode<synchronous>, transform_indices = @transform_2, window_bounds = array<i64: 2, 128>}, {transform_indices = @transform_3, window_bounds = array<i64: 512, 128>}, {transform_indices = @transform_4, window_bounds = array<i64: 512, 2>}]} {
    %get3A = arith.constant 0 : index
    %get3A_0 = arith.constant 0 : index
    %get3A_1 = vector.load %arg1[%get3A, %get3A_0] : memref<512x128xf32, #tpu.memory_space<vmem>>, vector<512x128xf32>
    %get3A_2 = arith.constant 0 : index
    %get3A_3 = arith.constant 0 : index
    %get3A_4 = vector.load %arg2[%get3A_2, %get3A_3] : memref<128x128xf32, #tpu.memory_space<vmem>>, vector<128x128xf32>
    %transpose3A = tpu.transpose %get3A_4, [1, 0] : vector<128x128xf32> -> vector<128x128xf32>
    %dot_general3A = arith.constant dense<0.000000e+00> : vector<512x128xf32>
    %dot_general3A_5 = tpu.matmul %get3A_1, %transpose3A, %dot_general3A {dimension_numbers = #tpu.dot_dimension_numbers<[1], [0], [0], [1], [0, 0, 1, 1], [], []>, transpose_lhs_hint = false} : vector<512x128xf32>, vector<128x128xf32>, vector<512x128xf32> -> vector<512x128xf32>
    %jit3A = arith.constant 0.00999999977 : f32
    %ge3A = arith.constant 0.000000e+00 : f32
    %ge3A_6 = vector.broadcast %ge3A : f32 to vector<512x128xf32>
    %ge3A_7 = arith.cmpf oge, %dot_general3A_5, %ge3A_6 : vector<512x128xf32>
    %mul3A = vector.broadcast %jit3A : f32 to vector<512x128xf32>
    %mul3A_8 = arith.mulf %mul3A, %dot_general3A_5 : vector<512x128xf32>
    %select_n3A = arith.select %ge3A_7, %dot_general3A_5, %mul3A_8 : vector<512x128xi1>, vector<512x128xf32>
    %swap3A = arith.constant 0 : index
    %swap3A_9 = arith.constant 0 : index
    %swap3A_10 = vector.load %arg4[%swap3A, %swap3A_9] : memref<512x128xf32, #tpu.memory_space<vmem>>, vector<512x128xf32>
    tpu.vector_store %arg4[%swap3A, %swap3A_9], %select_n3A {strides = array<i32>} : memref<512x128xf32, #tpu.memory_space<vmem>>, vector<512x128xf32>,
    %get3A_11 = arith.constant 0 : index
    %get3A_12 = arith.constant 0 : index
    %get3A_13 = vector.load %arg3[%get3A_11, %get3A_12] : memref<2x128xf32, #tpu.memory_space<vmem>>, vector<2x128xf32>
    %transpose3A_14 = tpu.transpose %get3A_13, [1, 0] : vector<2x128xf32> -> vector<128x2xf32>
    %dot_general3A_15 = arith.constant dense<0.000000e+00> : vector<512x2xf32>
    %dot_general3A_16 = tpu.matmul %select_n3A, %transpose3A_14, %dot_general3A_15 {dimension_numbers = #tpu.dot_dimension_numbers<[1], [0], [0], [1], [0, 0, 1, 1], [], []>, transpose_lhs_hint = false} : vector<512x128xf32>, vector<128x2xf32>, vector<512x2xf32> -> vector<512x2xf32>
    %swap3A_17 = arith.constant 0 : index
    %swap3A_18 = arith.constant 0 : index
    %swap3A_19 = vector.load %arg5[%swap3A_17, %swap3A_18] : memref<512x2xf32, #tpu.memory_space<vmem>>, vector<512x2xf32>
    tpu.vector_store %arg5[%swap3A_17, %swap3A_18], %dot_general3A_16 {strides = array<i32>} : memref<512x2xf32, #tpu.memory_space<vmem>>, vector<512x2xf32>,
    return
  }
  func.func @transform_0(%arg0: i32) -> (i32, i32) {
    %c0_i32 = arith.constant 0 : i32
    %c0_i32_0 = arith.constant 0 : i32
    return %arg0, %c0_i32 : i32, i32
  }
  func.func @transform_1(%arg0: i32) -> (i32, i32) {
    %c0_i32 = arith.constant 0 : i32
    %c0_i32_0 = arith.constant 0 : i32
    %c0_i32_1 = arith.constant 0 : i32
    return %c0_i32, %c0_i32_0 : i32, i32
  }
  func.func @transform_2(%arg0: i32) -> (i32, i32) {
    %c0_i32 = arith.constant 0 : i32
    %c0_i32_0 = arith.constant 0 : i32
    %c0_i32_1 = arith.constant 0 : i32
    return %c0_i32, %c0_i32_0 : i32, i32
  }
  func.func @transform_3(%arg0: i32) -> (i32, i32) {
    %c0_i32 = arith.constant 0 : i32
    %c0_i32_0 = arith.constant 0 : i32
    return %arg0, %c0_i32 : i32, i32
  }
  func.func @transform_4(%arg0: i32) -> (i32, i32) {
    %c0_i32 = arith.constant 0 : i32
    %c0_i32_0 = arith.constant 0 : i32
    return %arg0, %c0_i32 : i32, i32
  }
}

module attributes {stable_mosaic.version = 14 : i64} {
  func.func @_tc_merge_body(%arg0: i32, %arg1: memref<2x512x128xf32, #tpu.memory_space<vmem>>, %arg2: memref<2x512x1xf32, #tpu.memory_space<vmem>>, %arg3: memref<512x128xf32, #tpu.memory_space<vmem>>) attributes {dimension_semantics = [#tpu.dimension_semantics<arbitrary>], iteration_bounds = array<i64: 20>, scalar_prefetch = 0 : i64, scratch_operands = 0 : i64, tpu.core_type = #tpu.core_type<tc>, window_params = [{transform_indices = @transform_0, window_bounds = array<i64: 2, 512, 128>}, {transform_indices = @transform_1, window_bounds = array<i64: 2, 512, 1>}, {transform_indices = @transform_2, window_bounds = array<i64: 512, 128>}]} {
    %get3A = arith.constant 0 : index
    %get3A_0 = arith.constant 0 : index
    %get3A_1 = arith.constant 0 : index
    %get3A_2 = vector.load %arg1[%get3A, %get3A_0, %get3A_1] : memref<2x512x128xf32, #tpu.memory_space<vmem>>, vector<1x512x128xf32>
    %get3A_3 = vector.shape_cast %get3A_2 : vector<1x512x128xf32> to vector<512x128xf32>
    %get3A_4 = arith.constant 1 : index
    %get3A_5 = arith.constant 0 : index
    %get3A_6 = arith.constant 0 : index
    %get3A_7 = vector.load %arg1[%get3A_4, %get3A_5, %get3A_6] : memref<2x512x128xf32, #tpu.memory_space<vmem>>, vector<1x512x128xf32>
    %get3A_8 = vector.shape_cast %get3A_7 : vector<1x512x128xf32> to vector<512x128xf32>
    %add3A = arith.addf %get3A_3, %get3A_8 : vector<512x128xf32>
    %get3A_9 = arith.constant 0 : index
    %get3A_10 = arith.constant 0 : index
    %get3A_11 = arith.constant 0 : index
    %get3A_12 = vector.load %arg2[%get3A_9, %get3A_10, %get3A_11] : memref<2x512x1xf32, #tpu.memory_space<vmem>>, vector<1x512x1xf32>
    %get3A_13 = vector.shape_cast %get3A_12 : vector<1x512x1xf32> to vector<512x1xf32>
    %get3A_14 = arith.constant 1 : index
    %get3A_15 = arith.constant 0 : index
    %get3A_16 = arith.constant 0 : index
    %get3A_17 = vector.load %arg2[%get3A_14, %get3A_15, %get3A_16] : memref<2x512x1xf32, #tpu.memory_space<vmem>>, vector<1x512x1xf32>
    %get3A_18 = vector.shape_cast %get3A_17 : vector<1x512x1xf32> to vector<512x1xf32>
    %add3A_19 = arith.addf %get3A_13, %get3A_18 : vector<512x1xf32>
    %gt3A = arith.constant 0.000000e+00 : f32
    %gt3A_20 = vector.broadcast %gt3A : f32 to vector<512x1xf32>
    %gt3A_21 = arith.cmpf ogt, %add3A_19, %gt3A_20 : vector<512x1xf32>
    %jit3A = arith.constant 1.000000e+00 : f32
    %broadcast_in_dim3A = vector.broadcast %jit3A : f32 to vector<512x1xf32>
    %select_n3A = arith.select %gt3A_21, %add3A_19, %broadcast_in_dim3A : vector<512x1xi1>, vector<512x1xf32>
    %div3A = vector.broadcast %select_n3A : vector<512x1xf32> to vector<512x128xf32>
    %div3A_22 = arith.divf %add3A, %div3A : vector<512x128xf32>
    %jit3A_23 = arith.constant 0.00999999977 : f32
    %ge3A = arith.constant 0.000000e+00 : f32
    %ge3A_24 = vector.broadcast %ge3A : f32 to vector<512x128xf32>
    %ge3A_25 = arith.cmpf oge, %div3A_22, %ge3A_24 : vector<512x128xf32>
    %mul3A = vector.broadcast %jit3A_23 : f32 to vector<512x128xf32>
    %mul3A_26 = arith.mulf %mul3A, %div3A_22 : vector<512x128xf32>
    %select_n3A_27 = arith.select %ge3A_25, %div3A_22, %mul3A_26 : vector<512x128xi1>, vector<512x128xf32>
    %swap3A = arith.constant 0 : index
    %swap3A_28 = arith.constant 0 : index
    %swap3A_29 = vector.load %arg3[%swap3A, %swap3A_28] : memref<512x128xf32, #tpu.memory_space<vmem>>, vector<512x128xf32>
    tpu.vector_store %arg3[%swap3A, %swap3A_28], %select_n3A_27 {strides = array<i32>} : memref<512x128xf32, #tpu.memory_space<vmem>>, vector<512x128xf32>,
    return
  }
  func.func @transform_0(%arg0: i32) -> (i32, i32, i32) {
    %c0_i32 = arith.constant 0 : i32
    %c0_i32_0 = arith.constant 0 : i32
    %c0_i32_1 = arith.constant 0 : i32
    return %c0_i32, %arg0, %c0_i32_0 : i32, i32, i32
  }
  func.func @transform_1(%arg0: i32) -> (i32, i32, i32) {
    %c0_i32 = arith.constant 0 : i32
    %c0_i32_0 = arith.constant 0 : i32
    %c0_i32_1 = arith.constant 0 : i32
    return %c0_i32, %arg0, %c0_i32_0 : i32, i32, i32
  }
  func.func @transform_2(%arg0: i32) -> (i32, i32) {
    %c0_i32 = arith.constant 0 : i32
    %c0_i32_0 = arith.constant 0 : i32
    return %arg0, %c0_i32 : i32, i32
  }
}

</mosaic_0001>

<sc_bundles>
// kernel: kernel.6.cloned.1.call-start
scs
__scs_entry_jumppad:
0x0: {  	(pc) =	sbr.rel $0x88, $3  }
0x1: {  	(tag) =	ssettag $0x0;
	lr =	simm.s32 $0x1  }
0x2: {  	[smem:$0x3F9A] =	sst lr;
	_ =	strace $0xD0000000  }
0x3: {  	_ = 	snop  }
0x4: {  	_ = 	snop  }
0x5: {  	_ = 	snop  }
0x6: {  	_ = 	snop  }
0x7: {  	_ = 	snop  }
__scs_overlays_trampoline_lowered:
0x8: {  	[smem:$0x3FA9] =	sst s0  }
0x9: {  	[smem:$0x3FAA] =	sst s1  }
0xa: {  	[smem:$0x3FAB] =	sst s2  }
0xb: {  	[smem:$0x3FAC] =	sst s3  }
0xc: {  	[smem:$0x3FAD] =	sst s4  }
0xd: {  	[smem:$0x3FAE] =	sst s5  }
0xe: {  	[smem:$0x3FAF] =	sst s6  }
0xf: {  	[smem:$0x3FB0] =	sst s7  }
0x10: {  	[smem:$0x3FB1] =	sst s8  }
0x11: {  	[smem:$0x3FB2] =	sst s9;
	s0 =	simm.s32 @!p0 $0x0  }
0x12: {  	s1 =	sld [smem:$0x3F98];
	s0 =	simm.s32 @p0 $0x1  }
0x13: {  	[smem:$0x3FB3] =	sst s0;
	s0 =	simm.s32 @!p1 $0x0  }
0x14: {  	s2 =	sld [smem:$0x3F97];
	s0 =	simm.s32 @p1 $0x1  }
0x15: {  	[smem:$0x3FB4] =	sst s0;
	s0 =	simm.s32 @!p2 $0x0  }
0x16: {  	s3 =	sld [smem:$0x3FDB];
	s0 =	simm.s32 @p2 $0x1  }
0x17: {  	s4 =	simm.s32 $0x1BF5;
	[smem:$0x3FB6] =	sst s0  }
0x18: {  	s0 =	sld [smem:$0x3F99];
	_ =	swait.ge [sflag:s4], $0x0  }
0x19: {  	s7 =	sld [smem:$0x3F9A]  }
0x1a: {  	s8 =	sadd.s32 $0xFFFFE003, lr  }
0x1b: {  	s9 =	sadd.s32 $0xFFFFFEF7, lr;
	s5 =	simm.s32 $0xFFFFFFFF;
	p2 =	slt.u32 s8, $0xFFFFF086  }
0x1c: {  	p1 =	slt.u32 s9, $0xF7A;
	s5 =	simm.s32 @!p2 $0x0  }
0x1d: {  	s5 =	simm.s32 @p1 $0x1;
	p0 =	seq.s32 s7, s2  }
0x1e: {  	s7 =	smul.u32 @!p0 $0xF7A, s2;
	p2 =	seq.s32 @!p0 s5, $0x0  }
0x1f: {  	s9 =	smul.u32 $0xF7A, s1;
	s8 =	simm.s32 @!p0 $0x1BF5;
	p2 =	por !p2, p0  }
0x20: {  	[sflag:s8] =	ssyncset.s32 @!p0 $0xFFFFF086;
	s6 =	sadd.s32 @!p0 s3, s7;
	s7 =	simm.s32 @!p0 $0x108  }
0x21: {  	s3 =	sadd.s32 s3, s9;
	s6 =	sadd.s32 @!p0 $0x88, s6;
	s7 =	simm.s32 @p2 $0x1082  }
0x22: {  	[simem:s7], [sflag:s8] =	dma.local @!p0 [hbm:s6], $0xF7A  }
0x23: {  	s9 =	sor.u32 $0xD0000000, s2;
	s6 =	simm.s32 $0x108;
	_ =	swait.ge @!p0 [sflag:s8], $0x0  }
0x24: {  	s3 =	sadd.s32 $0x88, s3;
	s6 =	simm.s32 @!p1 $0x1082;
	[sflag:s4] =	ssyncset.s32 $0xFFFFF086  }
0x25: {  	[simem:s6], [sflag:s4] =	dma.local [hbm:s3], $0xF7A  }
0x26: {  	[smem:$0x3F9A] =	sst s1;
	(tag) =	ssettag s2;
	_ =	strace s9  }
0x27: {  	s1 =	sld [smem:$0x3FAA]  }
0x28: {  	s2 =	sld [smem:$0x3FAB]  }
0x29: {  	s4 =	sld [smem:$0x3FAD]  }
0x2a: {  	p0 =	seq.s32 s5, $0x0;
	s5 =	sld [smem:$0x3FAE]  }
0x2b: {  	s6 =	sld [smem:$0x3FAF]  }
0x2c: {  	s7 =	sld [smem:$0x3FB0]  }
0x2d: {  	s3 =	simm.s32 $0x108;
	s8 =	sld [smem:$0x3FB1]  }
0x2e: {  	s3 =	simm.s32 @!p0 $0x1082;
	s9 =	sld [smem:$0x3FB2]  }
0x2f: {  	lr =	sadd.s32 s0, s3;
	s0 =	sld [smem:$0x3FA9]  }
0x30: {  	s3 =	sld [smem:$0x3FAC]  }
0x31: {  	[smem:$0x3FB5] =	sst s10  }
0x32: {  	s10 =	sld [smem:$0x3FB3];
	_ =	sdelay $0x3  }
0x33: {  	p0 =	seq.s32 s10, $0x1;
	s10 =	sld [smem:$0x3FB5];
	_ =	sdelay $0x3  }
0x34: {  	[smem:$0x3FB5] =	sst s10  }
0x35: {  	s10 =	sld [smem:$0x3FB4];
	_ =	sdelay $0x3  }
0x36: {  	p1 =	seq.s32 s10, $0x1;
	s10 =	sld [smem:$0x3FB5];
	_ =	sdelay $0x3  }
0x37: {  	[smem:$0x3FB5] =	sst s10  }
0x38: {  	s10 =	sld [smem:$0x3FB6]  }
0x39: {  	_ = 	snop;
	(pc) =	sbr.ind lr, $3  }
0x3a: {  	_ = 	snop  }
0x3b: {  	_ = 	snop  }
0x3c: {  	p2 =	seq.s32 s10, $0x1;
	s10 =	sld [smem:$0x3FB5]  }
0x3d: {  	_ =	shalt  }
0x3e: {  	_ =	shalt  }
0x3f: {  	_ =	shalt  }
0x40: {  	_ =	shalt  }
0x41: {  	_ =	shalt  }
0x42: {  	_ =	shalt  }
0x43: {  	_ =	shalt  }
0x44: {  	_ =	shalt  }
0x45: {  	_ =	shalt  }
0x46: {  	_ =	shalt  }
0x47: {  	_ =	shalt  }
0x48: {  	_ =	shalt  }
0x49: {  	_ =	shalt  }
0x4a: {  	_ =	shalt  }
0x4b: {  	_ =	shalt  }
0x4c: {  	_ =	shalt  }
0x4d: {  	_ =	shalt  }
0x4e: {  	_ =	shalt  }
0x4f: {  	_ =	shalt  }
0x50: {  	_ =	shalt  }
0x51: {  	_ =	shalt  }
0x52: {  	_ =	shalt  }
0x53: {  	_ =	shalt  }
0x54: {  	_ =	shalt  }
0x55: {  	_ =	shalt  }
0x56: {  	_ =	shalt  }
0x57: {  	_ =	shalt  }
0x58: {  	_ =	shalt  }
0x59: {  	_ =	shalt  }
0x5a: {  	_ =	shalt  }
0x5b: {  	_ =	shalt  }
0x5c: {  	_ =	shalt  }
0x5d: {  	_ =	shalt  }
0x5e: {  	_ =	shalt  }
0x5f: {  	_ =	shalt  }
0x60: {  	_ =	shalt  }
0x61: {  	_ =	shalt  }
0x62: {  	_ =	shalt  }
0x63: {  	_ =	shalt  }
0x64: {  	_ =	shalt  }
0x65: {  	_ =	shalt  }
0x66: {  	_ =	shalt  }
0x67: {  	_ =	shalt  }
0x68: {  	_ =	shalt  }
0x69: {  	_ =	shalt  }
0x6a: {  	_ =	shalt  }
0x6b: {  	_ =	shalt  }
0x6c: {  	_ =	shalt  }
0x6d: {  	_ =	shalt  }
0x6e: {  	_ =	shalt  }
0x6f: {  	_ =	shalt  }
0x70: {  	_ =	shalt  }
0x71: {  	_ =	shalt  }
0x72: {  	_ =	shalt  }
0x73: {  	_ =	shalt  }
0x74: {  	_ =	shalt  }
0x75: {  	_ =	shalt  }
0x76: {  	_ =	shalt  }
0x77: {  	_ =	shalt  }
0x78: {  	_ =	shalt  }
0x79: {  	_ =	shalt  }
0x7a: {  	_ =	shalt  }
0x7b: {  	_ =	shalt  }
0x7c: {  	_ =	shalt  }
0x7d: {  	_ =	shalt  }
0x7e: {  	_ =	shalt  }
0x7f: {  	_ =	shalt  }
0x80: {  	_ =	shalt  }
0x81: {  	_ =	shalt  }
0x82: {  	_ =	shalt  }
0x83: {  	_ =	shalt  }
0x84: {  	_ =	shalt  }
0x85: {  	_ =	shalt  }
0x86: {  	_ =	shalt  }
0x87: {  	_ =	shalt  }
.Lfunc_end0:
.L_simem_size_0:
called_computation_lowered:
.L_overlay_start_0:
0x88: {  	s2 =	sld [smem:$0x3FD9]  }
0x89: {  	s3 =	sld [smem:$0x3FFE];
	_ =	sdelay $0x1  }
0x8a: {  	s1 =	srdreg.scid  }
0x8b: {  	s0 =	sand.u32 $0x1, s1  }
0x8c: {  	s16 =	sshll.u32 s0, $0xA;
	s2 =	sadd.s32 s3, s2  }
0x8d: {  	s2 =	sadd.s32 s2, s16  }
0x8e: {  	[smem:$0x3FC1] =	sst s2  }
0x8f: {  	_ = 	snop  }
0x90: {  	(tm) =	ssettm $0x1  }
0x91: {  	s17 =	sld [smem:$0x3FFB];
	_ =	sdelay $0x3  }
0x92: {  	_ =	strace s17  }
0x93: {  	s2 =	sld [smem:$0x3FFC];
	_ =	sdelay $0x3  }
0x94: {  	_ =	strace s2  }
0x95: {  	s2 =	sld [smem:$0x3FFD];
	_ =	sdelay $0x3  }
0x96: {  	_ =	strace s2  }
0x97: {  	_ =	strace $0x8FFFFFFF  }
0x98: {  	s18 =	sld [smem:$0x3FDB];
	_ =	sdelay $0x1  }
0x99: {  	s19 =	simm.s32 $_scs_section_size  }
0x9a: {  	s4 =	simm.s32 $_size__tile_overlayer_lowered;
	s5 =	simm.s32 $_tile_overlayer_lowered  }
0x9b: {  	s22 =	simm.s32 $0x1BFF;
	s21 =	sshll.u32 s5, $0x1;
	s2 =	sadd.s32 s19, s18  }
0x9c: {  	s6 =	simm.s32 $0x0;
	s20 =	sshll.u32 s4, $0x1;
	s4 =	sadd.s32 s21, s2  }
0x9d: {  	[timem:s6], [sflag:s22] =	dma.local [hbm:s4], s20  }
0x9e: {  	_ =	swait.ge [sflag:s22], s20  }
0x9f: {  	s3 =	ssub.s32 $0x0, s20;
	[sflag:s22] =	ssyncset.done $0x0  }
0xa0: {  	[sflag:s22] =	ssyncadd.s32 s3;
	_ =	sdelay $0x1  }
0xa1: {  	s23 =	simm.s32 $0x1B8B  }
0xa2: {  	_ =	swait.ge [sflag:s23], $0x1  }
0xa3: {  	[sflag:s23] =	ssyncset.done $0x0  }
0xa4: {  	s25 =	simm.s32 $0x1B8E;
	s24 =	sld [smem:$0x3FFE];
	[sflag:s23] =	ssyncadd.s32 $0xFFFFFFFF  }
0xa5: {  	s26 =	simm.s32 $execute0_lowered;
	[smem:$0x3FD2] =	sst s25  }
0xa6: {  	s4 =	sshll.u32 s26, $0x1;
	_ =	strace $0x80000046;
	[dreg:$0x1] =	wrdreg $0xFFFFFFFF  }
0xa7: {  	s28 =	simm.s32 $_size_execute0_lowered;
	s2 =	sadd.s32 s2, s4;
	[dreg:$0x0] =	wrdreg $0x0  }
0xa8: {  	s4 =	sshll.u32 s28, $0x1;
	[dreg:$0x2] =	wrdreg s2  }
0xa9: {  	[dreg:$0x3] =	wrdreg s4  }
0xaa: {  	[dreg:$0x4] =	wrdreg $0xC0  }
0xab: {  	_ =	task [dreg:s6], $0x5FFFF  }
0xac: {  	[dreg:$0x1] =	wrdreg $0xFFFFFFFF  }
0xad: {  	[dreg:$0x0] =	wrdreg $0x60  }
0xae: {  	[dreg:$0x2] =	wrdreg s24  }
0xaf: {  	[dreg:$0x3] =	wrdreg $0x11D800  }
0xb0: {  	[dreg:$0x4] =	wrdreg $0x9  }
0xb1: {  	_ =	task.clear_ibuf [dreg:s6], $0x5FFFF;
	_ =	strace $0x90000046  }
0xb2: {  	s29 =	simm.s32 $0x9;
	_ =	strace $0x80000048  }
0xb3: {  	_ =	swait.ge [sflag:s29], $0x1  }
0xb4: {  	[sflag:s29] =	ssyncadd.s32 $0xFFFFFFFF  }
0xb5: {  	_ =	strace $0x90000048  }
0xb6: {  	_ =	sfence  }
0xb7: {  	s30 =	sld [smem:$0x0];
	_ =	sdelay $0x2  }
0xb8: {  	s31 =	sshll.u32 s1, $0xD;
	s1 =	sshrl.u32 s1, $0x2  }
0xb9: {  	s3 =	sand.u32 $0x4000, s31;
	s1 =	sadd.s32 s1, s30  }
0xba: {  	s0 =	sor.u32 s3, s0;
	s1 =	sshll.u32 s1, $0x11  }
0xbb: {  	s0 =	sor.u32 s1, s0  }
0xbc: {  	s0 =	sadd.s32 $0x8F2B, s0  }
0xbd: {  	[sflag:s0] =	ssyncadd.remote.s32 $0x1  }
0xbe: {  	_ =	sfence.sel $0xFFFF  }
0xbf: {  	[dreg:$0x0] =	wrdreg $0xFFFFFFFF;
	(pc) =	sbr.abs _section_cstart, $3  }
0xc0: {  	[dreg:$0x1] =	wrdreg $0xFFFFFFFF  }
0xc1: {  	_ =	task.clear_ibuf [dreg:s6], $0x2FFFF;
	_ =	strace $0x9FFFFFFF  }
0xc2: {  	(tm) =	ssettm $0x7FFFFFFF  }
0xc3: {  	_ =	shalt  }
tec
execute0_lowered:
.L_overlay_start_1:
0x0: {  	(tag) =	ssettag $0x1  }
0x1: {  	s6 =	rddreg [dreg:$0x0]  }
0x2: {  	s11 =	rddreg [dreg:$0x1]  }
0x3: {  	s1 =	srdreg.scid;
	s2 =	simm.s32 $0x0;
	s16 =	simm.s32 $0x11800  }
0x4: {  	s17 =	simm.s32 $0x7800;
	s18 =	simm.s32 $0xA000;
	s19 =	simm.s32 $0xC800  }
0x5: {  	s20 =	simm.s32 $0x5000;
	s21 =	simm.s32 $0xF000;
	s22 =	simm.s32 $0x80  }
0x6: {  	s23 =	simm.s32 $0x400;
	s24 =	simm.s32 $0x11880;
	s25 =	simm.s32 $0x11B00  }
0x7: {  	s26 =	simm.s32 $0x100;
	s28 =	simm.s32 $0x0;
	s7 =	sand.u32 $0x1, s1  }
0x8: {  	[smem:$0x7FF] =	sst s2;
	s1 =	stileid.u32;
	s5 =	sadd.s32 $0x48800, s6  }
0x9: {  	s3 =	sshll.u32 s7, $0x4;
	_ =	strace $0x80000047;
	s8 =	smul.u32 $0x500, s1  }
0xa: {  	s10 =	sshll.u32 s7, $0x7;
	s7 =	ssub.s32 $0x2, s7;
	s30 =	sshrl.u32 s1, $0x3  }
0xb: {  	s14 =	smul.u32 $0x5000, s1;
	s15 =	sshll.u32 s1, $0x7;
	s4 =	sor.u32 s1, s3  }
0xc: {  	s3 =	sadd.s32 $0x33600, s6;
	s29 =	sshrl.u32 s7, $0x1;
	s31 =	smul.u32 $0x50000, s30  }
0xd: {  	s15 =	sand.u32 $0x380, s15;
	s9 =	smul.u32 $0x500, s4;
	s4 =	sadd.s32 $0x33000, s6  }
0xe: {  	s8 =	sor.u32 s10, s8;
	s13 =	ssub.s32 s7, s29;
	s14 =	sshrl.u32 s14, $0x2  }
0xf: {  	s8 =	sshrl.u32 s8, $0x3;
	s10 =	sshrl.u32 s31, $0x2;
	s13 =	smax.u32 s13, $0x1  }
0x10: {  	s9 =	sadd.s32 s9, s6;
	s12 =	sadd.s32 s8, s6;
	s10 =	sadd.s32 s10, s11  }
0x11: {  	s11 =	sadd.s32 s14, s11;
	s14 =	simm.s32 $0x1;
	s6 =	sadd.s32 $0x3E200, s9  }
0x12: {  	s7 =	sadd.s32 $0x33C00, s9;
	s8 =	sadd.s32 $0xA00, s9;
	s9 =	sadd.s32 $0x48A00, s9  }
0x13: {  	v0 =	vimm.f32 $-1.000000020e+30;
	s10 =	sadd.s32 s15, s10;
	s12 =	sadd.s32 $0x53000, s12;
	s15 =	simm.s32 $0x2800  }
.LBB2_1:
0x14: {  	[tilespmem:s2], [sflag:$0x1] =	stream.linear.gather [hbm4b:s3+s2], $0x2800, $0x38;
	[tilespmem:$0x14580] =	vst v63  }
0x15: {  	_ =	swait.ge [sflag:s14], $0x2800  }
0x16: {  	[sflag:s14] =	ssyncset.done $0x0  }
0x17: {  	[sflag:s14] =	ssyncadd.s32 $0xFFFFD800  }
0x18: {  	[tilespmem:s15], [sflag:$0x1] =	stream.linear.gather [hbm4b:s4+s2], $0x2800, $0x38;
	[tilespmem:$0x14580] =	vst v63  }
0x19: {  	_ =	swait.ge [sflag:s14], $0x2800  }
0x1a: {  	[sflag:s14] =	ssyncset.done $0x0  }
0x1b: {  	[sflag:s14] =	ssyncadd.s32 $0xFFFFD800  }
0x1c: {  	[tilespmem:s16], [sflag:$0x1] =	stream.linear.gather [hbm4b:s5+s2], $0x80, $0x38;
	[tilespmem:$0x14580] =	vst v63  }
0x1d: {  	_ =	swait.ge [sflag:s14], $0x80  }
0x1e: {  	[sflag:s14] =	ssyncset.done $0x0  }
0x1f: {  	[sflag:s14] =	ssyncadd.s32 $0xFFFFFF80  }
0x20: {  	[tilespmem:s17], [sflag:$0x1] =	stream.linear.gather [hbm4b:s6+s2], $0x2800, $0x38;
	[tilespmem:$0x14580] =	vst v63  }
0x21: {  	_ =	swait.ge [sflag:s14], $0x2800  }
0x22: {  	[sflag:s14] =	ssyncset.done $0x0  }
0x23: {  	[sflag:s14] =	ssyncadd.s32 $0xFFFFD800  }
0x24: {  	[tilespmem:s18], [sflag:$0x1] =	stream.linear.gather [hbm4b:s7+s2], $0x2800, $0x38;
	[tilespmem:$0x14580] =	vst v63  }
0x25: {  	_ =	swait.ge [sflag:s14], $0x2800  }
0x26: {  	[sflag:s14] =	ssyncset.done $0x0  }
0x27: {  	[sflag:s14] =	ssyncadd.s32 $0xFFFFD800  }
0x28: {  	[tilespmem:s19], [sflag:$0x1] =	stream.linear.gather [hbm4b:s8+s2], $0x2800, $0x38;
	[tilespmem:$0x14580] =	vst v63  }
0x29: {  	_ =	swait.ge [sflag:s14], $0x2800  }
0x2a: {  	[sflag:s14] =	ssyncset.done $0x0  }
0x2b: {  	[sflag:s14] =	ssyncadd.s32 $0xFFFFD800  }
0x2c: {  	s29 =	simm.s32 $0x0;
	v1 =	vld [tilespmem:$0x11800]  }
.LBB2_2:
0x2d: {  	p0 =	sne.s32 s29, $0x9FC0  }
.Ltmp0:
0x2e: {  	_ = 	snop;
	(pc) =	sbr.rel @p0 .LBB2_2-.Ltmp0, $3  }
0x2f: {  	_ =	sdelay $0x1  }
0x30: {  	s30 =	sshra.s32 s29, $0x2  }
0x31: {  	s29 =	sadd.s32 $0x40, s29;
	[tilespmem:s30+$0x5000] =	vst v0  }
0x32: {  	s29 =	simm.s32 $0x0  }
.LBB2_4:
0x33: {  	s30 =	sshra.s32 s29, $0x2  }
0x34: {  	v2 =	vld [tilespmem:s30+$0x7800]  }
0x35: {  	v3 =	vld [tilespmem:s30+$0xA000];
	_ =	sdelay $0x6  }
0x36: {  	v2 =	vld.idx.msk [tilespmem:v2+s2+$0x0], $0xffff  }
0x37: {  	v4 =	vld.idx.msk [tilespmem:v3+s15+$0x0], $0xffff;
	_ =	sdelay $0x1  }
0x38: {  	v5 =	vld [tilespmem:s30+$0xC800];
	_ =	sdelay $0x2  }
0x39: {  	v2 =	vadd.f32 v4, v2;
	_ =	sdelay $0x1  }
0x3a: {  	v2 =	vmul.f32 v2, v5;
	_ =	sdelay $0x1  }
0x3b: {  	v57 =	vmul.f32 $9.999999770e-03, v2  }
0x3c: {  	vm0 =	vge.f32 v2, $0.0e+00  }
0x3d: {  	v2 =	vsel vm0, v2, v57  }
0x3e: {  	v2 =	vmul.f32 v2, v1;
	_ =	sdelay $0x1  }
0x3f: {  	[tilespmem:s30+$0xF000] =	vst v2  }
0x40: {  	v58 =	vld.idx.msk [tilespmem:v3+s20+$0x0], $0xffff;
	_ =	sdelay $0x4  }
0x41: {  	vm10 =	vgt.f32 v2, v58;
	_ =	sdelay $0x5  }
0x42: {  	[tilespmem:v3+s20+$0x0] =	vst.idx.msk vm10, v2  }
0x43: {  	v59 =	vld.idx.msk [tilespmem:v3+s20+$0x0], $0xffff;
	_ =	sdelay $0x4  }
0x44: {  	vm11 =	vgt.f32 v2, v59;
	_ =	sdelay $0x5  }
0x45: {  	[tilespmem:v3+s20+$0x0] =	vst.idx.msk vm11, v2  }
0x46: {  	v60 =	vld.idx.msk [tilespmem:v3+s20+$0x0], $0xffff;
	_ =	sdelay $0x4  }
0x47: {  	vm12 =	vgt.f32 v2, v60;
	_ =	sdelay $0x5  }
0x48: {  	[tilespmem:v3+s20+$0x0] =	vst.idx.msk vm12, v2  }
0x49: {  	v61 =	vld.idx.msk [tilespmem:v3+s20+$0x0], $0xffff;
	_ =	sdelay $0x4  }
0x4a: {  	vm13 =	vgt.f32 v2, v61;
	_ =	sdelay $0x5  }
0x4b: {  	[tilespmem:v3+s20+$0x0] =	vst.idx.msk vm13, v2  }
0x4c: {  	v62 =	vld.idx.msk [tilespmem:v3+s20+$0x0], $0xffff;
	_ =	sdelay $0x4  }
0x4d: {  	vm14 =	vgt.f32 v2, v62;
	_ =	sdelay $0x5  }
0x4e: {  	[tilespmem:v3+s20+$0x0] =	vst.idx.msk vm14, v2  }
0x4f: {  	v63 =	vld.idx.msk [tilespmem:v3+s20+$0x0], $0xffff;
	_ =	sdelay $0x4  }
0x50: {  	vm15 =	vgt.f32 v2, v63  }
0x51: {  	p0 =	sne.s32 s29, $0x9FC0  }
.Ltmp1:
0x52: {  	_ = 	snop;
	(pc) =	sbr.rel @p0 .LBB2_4-.Ltmp1, $2  }
0x53: {  	_ =	sdelay $0x2  }
0x54: {  	s29 =	sadd.s32 $0x40, s29;
	[tilespmem:v3+s20+$0x0] =	vst.idx.msk vm15, v2  }
0x55: {  	[hbm4b:s9+s2] =	stream.linear.scatter [tilespmem:s21], [sflag:$0x1], $0x2800, $0x38;
	[tilespmem:$0x14580] =	vst v63  }
0x56: {  	s29 =	simm.s32 $0x1  }
0x57: {  	_ =	swait.ge [sflag:s29], $0x2800  }
0x58: {  	[sflag:s29] =	ssyncset.done $0x0  }
0x59: {  	[sflag:s29] =	ssyncadd.s32 $0xFFFFD800  }
0x5a: {  	[spmem:s10] =	stream.strided.scatter [tilespmem:s20], [sflag:$0x1], $0x2800, s23, s22, $0x38;
	[tilespmem:$0x14580] =	vst v63  }
0x5b: {  	_ =	swait.ge [sflag:s29], $0x2800  }
0x5c: {  	[sflag:s29] =	ssyncset.done $0x0  }
0x5d: {  	[sflag:s29] =	ssyncadd.s32 $0xFFFFD800  }
0x5e: {  	[bflag:$0x0] =	sbarrier.arrive $0xFFFF  }
0x5f: {  	[tilespmem:s24], [sflag:$0x1] =	stream.strided.gather [spmem:s11], $0x280, s23, s22, $0x38;
	[tilespmem:$0x14580] =	vst v63  }
0x60: {  	_ =	swait.ge [sflag:s29], $0x280  }
0x61: {  	[sflag:s29] =	ssyncset.done $0x0  }
0x62: {  	[sflag:s29] =	ssyncadd.s32 $0xFFFFFD80  }
.LBB2_6:
0x63: {  	s30 =	sshrl.u32 s29, $0x3  }
0x64: {  	s30 =	smul.u32 $0x50000, s30;
	_ =	sdelay $0x1  }
0x65: {  	s31 =	sshll.u32 s29, $0x7;
	s30 =	sshra.s32 s30, $0x2  }
0x66: {  	s31 =	sand.u32 $0x380, s31;
	s30 =	sadd.s32 s30, s11  }
0x67: {  	s30 =	sadd.s32 s31, s30  }
0x68: {  	[tilespmem:s25], [sflag:$0x1] =	stream.strided.gather [spmem:s30], $0x280, s23, s22, $0x38;
	[tilespmem:$0x14580] =	vst v63  }
0x69: {  	_ =	swait.ge [sflag:s14], $0x280  }
0x6a: {  	[sflag:s14] =	ssyncset.done $0x0  }
0x6b: {  	s30 =	simm.s32 $0x0;
	[sflag:s14] =	ssyncadd.s32 $0xFFFFFD80  }
0x6c: {  	s31 =	simm.s32 $0x40;
	v1 =	vld [tilespmem:s30+$0x11B00]  }
.LBB2_7:
0x6d: {  	p0 =	sne.s32 s31, $0x9C0;
	v2 =	vld [tilespmem:s30+$0x11880];
	_ =	sdelay $0x1  }
.Ltmp2:
0x6e: {  	(pc) =	sbr.rel @p0 .LBB2_7-.Ltmp2, $3  }
0x6f: {  	_ =	sdelay $0x1  }
0x70: {  	s0 =	sshra.s32 s31, $0x2;
	v2 =	vmax.f32 v2, v1  }
0x71: {  	s31 =	sadd.s32 $0x40, s31;
	v1 =	vld [tilespmem:s0+$0x11B00];
	[tilespmem:s30+$0x11880] =	vst v2;
	s30 =	smov.u32 s0  }
0x72: {  	v2 =	vld [tilespmem:s30+$0x11880];
	s29 =	sadd.s32 $0x1, s29  }
0x73: {  	p0 =	sne.s32 s29, $0x10  }
.Ltmp3:
0x74: {  	_ = 	snop;
	(pc) =	sbr.rel @p0 .LBB2_6-.Ltmp3, $3  }
0x75: {  	_ =	sdelay $0x1  }
0x76: {  	v1 =	vmax.f32 v2, v1  }
0x77: {  	[tilespmem:s30+$0x11880] =	vst v1  }
0x78: {  	s28 =	sadd.s32 $0x1, s28  }
0x79: {  	p0 =	sne.s32 s28, s13  }
.Ltmp4:
0x7a: {  	_ = 	snop;
	(pc) =	sbr.rel @p0 .LBB2_1-.Ltmp4, $4  }
0x7b: {  	[hbm4b:s12+s22] =	stream.strided.scatter [tilespmem:s24], [sflag:$0x1], $0x280, s26, s22, $0x38;
	[tilespmem:$0x14580] =	vst v63  }
0x7c: {  	_ =	swait.ge [sflag:s14], $0x280  }
0x7d: {  	[sflag:s14] =	ssyncset.done $0x0  }
0x7e: {  	[sflag:s14] =	ssyncadd.s32 $0xFFFFFD80  }
0x7f: {  	_ =	sfence.sel $0x180000  }
0x80: {  	[bflag:$0x0] =	sbarrier.arrive $0xFFFF  }
0x81: {  	_ =	strace $0x90000047  }
0x82: {  	[bflag:$0x2] =	sbarrier.arrive $0xFFFF  }
0x83: {  	p0 =	sne.s32 s1, $0x0;
	s0 =	rddreg [dreg:$0x2]  }
0x84: {  	s0 =	sadd.s32 @!p0 $0x100000, s0  }
0x85: {  	[sflag:s0] =	ssyncadd.tile.s32 @!p0 $0x1;
	_ =	shalt  }
.Lfunc_end2:
_tile_overlayer_lowered:
.L_overlay_start_2:
0x86: {  	(tag) =	ssettag $0x2  }
0x87: {  	s0 =	rddreg [dreg:$0x0];
	s2 =	stileid.u32  }
0x88: {  	s1 =	rddreg [dreg:$0x1];
	p0 =	sne.s32 s2, $0x0  }
0x89: {  	s3 =	rddreg [dreg:$0x2];
	[bflag:$0x3] =	sbarrier.arrive $0xFFFF;
	s2 =	simm.s32 @!p0 $0x1C01  }
0x8a: {  	[timem:s3], [sflag:s2] =	dma.local @!p0 [hbm:s0], s1  }
0x8b: {  	s0 =	simm.s32 @!p0 $0x1  }
0x8c: {  	_ =	swait.ge @!p0 [sflag:s0], s1  }
0x8d: {  	s1 =	ssub.s32 @!p0 $0x0, s1;
	[sflag:s0] =	ssyncset.done @!p0 $0x0  }
0x8e: {  	[sflag:s0] =	ssyncadd.s32 @!p0 s1  }
0x8f: {  	[bflag:$0x3] =	sbarrier.arrive $0xFFFF  }
0x90: {  	_ =	shalt  }

// kernel: kernel.9.cloned.1.call-start
scs
__scs_entry_jumppad:
0x0: {  	(pc) =	sbr.rel $0x88, $3  }
0x1: {  	(tag) =	ssettag $0x0;
	lr =	simm.s32 $0x1  }
0x2: {  	[smem:$0x3F9A] =	sst lr;
	_ =	strace $0xD0000000  }
0x3: {  	_ = 	snop  }
0x4: {  	_ = 	snop  }
0x5: {  	_ = 	snop  }
0x6: {  	_ = 	snop  }
0x7: {  	_ = 	snop  }
__scs_overlays_trampoline_lowered:
0x8: {  	[smem:$0x3FA9] =	sst s0  }
0x9: {  	[smem:$0x3FAA] =	sst s1  }
0xa: {  	[smem:$0x3FAB] =	sst s2  }
0xb: {  	[smem:$0x3FAC] =	sst s3  }
0xc: {  	[smem:$0x3FAD] =	sst s4  }
0xd: {  	[smem:$0x3FAE] =	sst s5  }
0xe: {  	[smem:$0x3FAF] =	sst s6  }
0xf: {  	[smem:$0x3FB0] =	sst s7  }
0x10: {  	[smem:$0x3FB1] =	sst s8  }
0x11: {  	[smem:$0x3FB2] =	sst s9;
	s0 =	simm.s32 @!p0 $0x0  }
0x12: {  	s1 =	sld [smem:$0x3F98];
	s0 =	simm.s32 @p0 $0x1  }
0x13: {  	[smem:$0x3FB3] =	sst s0;
	s0 =	simm.s32 @!p1 $0x0  }
0x14: {  	s2 =	sld [smem:$0x3F97];
	s0 =	simm.s32 @p1 $0x1  }
0x15: {  	[smem:$0x3FB4] =	sst s0;
	s0 =	simm.s32 @!p2 $0x0  }
0x16: {  	s3 =	sld [smem:$0x3FDB];
	s0 =	simm.s32 @p2 $0x1  }
0x17: {  	s4 =	simm.s32 $0x1BF5;
	[smem:$0x3FB6] =	sst s0  }
0x18: {  	s0 =	sld [smem:$0x3F99];
	_ =	swait.ge [sflag:s4], $0x0  }
0x19: {  	s7 =	sld [smem:$0x3F9A]  }
0x1a: {  	s8 =	sadd.s32 $0xFFFFE003, lr  }
0x1b: {  	s9 =	sadd.s32 $0xFFFFFEF7, lr;
	s5 =	simm.s32 $0xFFFFFFFF;
	p2 =	slt.u32 s8, $0xFFFFF086  }
0x1c: {  	p1 =	slt.u32 s9, $0xF7A;
	s5 =	simm.s32 @!p2 $0x0  }
0x1d: {  	s5 =	simm.s32 @p1 $0x1;
	p0 =	seq.s32 s7, s2  }
0x1e: {  	s7 =	smul.u32 @!p0 $0xF7A, s2;
	p2 =	seq.s32 @!p0 s5, $0x0  }
0x1f: {  	s9 =	smul.u32 $0xF7A, s1;
	s8 =	simm.s32 @!p0 $0x1BF5;
	p2 =	por !p2, p0  }
0x20: {  	[sflag:s8] =	ssyncset.s32 @!p0 $0xFFFFF086;
	s6 =	sadd.s32 @!p0 s3, s7;
	s7 =	simm.s32 @!p0 $0x108  }
0x21: {  	s3 =	sadd.s32 s3, s9;
	s6 =	sadd.s32 @!p0 $0x88, s6;
	s7 =	simm.s32 @p2 $0x1082  }
0x22: {  	[simem:s7], [sflag:s8] =	dma.local @!p0 [hbm:s6], $0xF7A  }
0x23: {  	s9 =	sor.u32 $0xD0000000, s2;
	s6 =	simm.s32 $0x108;
	_ =	swait.ge @!p0 [sflag:s8], $0x0  }
0x24: {  	s3 =	sadd.s32 $0x88, s3;
	s6 =	simm.s32 @!p1 $0x1082;
	[sflag:s4] =	ssyncset.s32 $0xFFFFF086  }
0x25: {  	[simem:s6], [sflag:s4] =	dma.local [hbm:s3], $0xF7A  }
0x26: {  	[smem:$0x3F9A] =	sst s1;
	(tag) =	ssettag s2;
	_ =	strace s9  }
0x27: {  	s1 =	sld [smem:$0x3FAA]  }
0x28: {  	s2 =	sld [smem:$0x3FAB]  }
0x29: {  	s4 =	sld [smem:$0x3FAD]  }
0x2a: {  	p0 =	seq.s32 s5, $0x0;
	s5 =	sld [smem:$0x3FAE]  }
0x2b: {  	s6 =	sld [smem:$0x3FAF]  }
0x2c: {  	s7 =	sld [smem:$0x3FB0]  }
0x2d: {  	s3 =	simm.s32 $0x108;
	s8 =	sld [smem:$0x3FB1]  }
0x2e: {  	s3 =	simm.s32 @!p0 $0x1082;
	s9 =	sld [smem:$0x3FB2]  }
0x2f: {  	lr =	sadd.s32 s0, s3;
	s0 =	sld [smem:$0x3FA9]  }
0x30: {  	s3 =	sld [smem:$0x3FAC]  }
0x31: {  	[smem:$0x3FB5] =	sst s10  }
0x32: {  	s10 =	sld [smem:$0x3FB3];
	_ =	sdelay $0x3  }
0x33: {  	p0 =	seq.s32 s10, $0x1;
	s10 =	sld [smem:$0x3FB5];
	_ =	sdelay $0x3  }
0x34: {  	[smem:$0x3FB5] =	sst s10  }
0x35: {  	s10 =	sld [smem:$0x3FB4];
	_ =	sdelay $0x3  }
0x36: {  	p1 =	seq.s32 s10, $0x1;
	s10 =	sld [smem:$0x3FB5];
	_ =	sdelay $0x3  }
0x37: {  	[smem:$0x3FB5] =	sst s10  }
0x38: {  	s10 =	sld [smem:$0x3FB6]  }
0x39: {  	_ = 	snop;
	(pc) =	sbr.ind lr, $3  }
0x3a: {  	_ = 	snop  }
0x3b: {  	_ = 	snop  }
0x3c: {  	p2 =	seq.s32 s10, $0x1;
	s10 =	sld [smem:$0x3FB5]  }
0x3d: {  	_ =	shalt  }
0x3e: {  	_ =	shalt  }
0x3f: {  	_ =	shalt  }
0x40: {  	_ =	shalt  }
0x41: {  	_ =	shalt  }
0x42: {  	_ =	shalt  }
0x43: {  	_ =	shalt  }
0x44: {  	_ =	shalt  }
0x45: {  	_ =	shalt  }
0x46: {  	_ =	shalt  }
0x47: {  	_ =	shalt  }
0x48: {  	_ =	shalt  }
0x49: {  	_ =	shalt  }
0x4a: {  	_ =	shalt  }
0x4b: {  	_ =	shalt  }
0x4c: {  	_ =	shalt  }
0x4d: {  	_ =	shalt  }
0x4e: {  	_ =	shalt  }
0x4f: {  	_ =	shalt  }
0x50: {  	_ =	shalt  }
0x51: {  	_ =	shalt  }
0x52: {  	_ =	shalt  }
0x53: {  	_ =	shalt  }
0x54: {  	_ =	shalt  }
0x55: {  	_ =	shalt  }
0x56: {  	_ =	shalt  }
0x57: {  	_ =	shalt  }
0x58: {  	_ =	shalt  }
0x59: {  	_ =	shalt  }
0x5a: {  	_ =	shalt  }
0x5b: {  	_ =	shalt  }
0x5c: {  	_ =	shalt  }
0x5d: {  	_ =	shalt  }
0x5e: {  	_ =	shalt  }
0x5f: {  	_ =	shalt  }
0x60: {  	_ =	shalt  }
0x61: {  	_ =	shalt  }
0x62: {  	_ =	shalt  }
0x63: {  	_ =	shalt  }
0x64: {  	_ =	shalt  }
0x65: {  	_ =	shalt  }
0x66: {  	_ =	shalt  }
0x67: {  	_ =	shalt  }
0x68: {  	_ =	shalt  }
0x69: {  	_ =	shalt  }
0x6a: {  	_ =	shalt  }
0x6b: {  	_ =	shalt  }
0x6c: {  	_ =	shalt  }
0x6d: {  	_ =	shalt  }
0x6e: {  	_ =	shalt  }
0x6f: {  	_ =	shalt  }
0x70: {  	_ =	shalt  }
0x71: {  	_ =	shalt  }
0x72: {  	_ =	shalt  }
0x73: {  	_ =	shalt  }
0x74: {  	_ =	shalt  }
0x75: {  	_ =	shalt  }
0x76: {  	_ =	shalt  }
0x77: {  	_ =	shalt  }
0x78: {  	_ =	shalt  }
0x79: {  	_ =	shalt  }
0x7a: {  	_ =	shalt  }
0x7b: {  	_ =	shalt  }
0x7c: {  	_ =	shalt  }
0x7d: {  	_ =	shalt  }
0x7e: {  	_ =	shalt  }
0x7f: {  	_ =	shalt  }
0x80: {  	_ =	shalt  }
0x81: {  	_ =	shalt  }
0x82: {  	_ =	shalt  }
0x83: {  	_ =	shalt  }
0x84: {  	_ =	shalt  }
0x85: {  	_ =	shalt  }
0x86: {  	_ =	shalt  }
0x87: {  	_ =	shalt  }
.Lfunc_end0:
.L_simem_size_0:
called_computation.1_lowered:
.L_overlay_start_0:
0x88: {  	s2 =	sld [smem:$0x3FD9]  }
0x89: {  	s3 =	sld [smem:$0x3FFE];
	_ =	sdelay $0x1  }
0x8a: {  	s1 =	srdreg.scid  }
0x8b: {  	s0 =	sand.u32 $0x1, s1  }
0x8c: {  	s17 =	sshll.u32 s0, $0xA;
	s2 =	sadd.s32 s3, s2  }
0x8d: {  	s2 =	sadd.s32 s2, s17  }
0x8e: {  	[smem:$0x3FC1] =	sst s2  }
0x8f: {  	_ = 	snop  }
0x90: {  	s2 =	sld [smem:$0x3FD0];
	(tm) =	ssettm $0x1  }
0x91: {  	s18 =	sld [smem:$0x3FFB];
	_ =	sdelay $0x3  }
0x92: {  	_ =	strace s18  }
0x93: {  	s3 =	sld [smem:$0x3FFC];
	_ =	sdelay $0x3  }
0x94: {  	_ =	strace s3  }
0x95: {  	s3 =	sld [smem:$0x3FFD];
	_ =	sdelay $0x3  }
0x96: {  	_ =	strace s3  }
0x97: {  	_ =	strace $0x8FFFFFFF  }
0x98: {  	s19 =	sld [smem:$0x3FDB];
	_ =	sdelay $0x1  }
0x99: {  	s4 =	simm.s32 $_scs_section_size  }
0x9a: {  	s5 =	simm.s32 $_size__tile_overlayer_lowered;
	s6 =	simm.s32 $_tile_overlayer_lowered  }
0x9b: {  	s22 =	simm.s32 $0x1BFF;
	s21 =	sshll.u32 s6, $0x1;
	s3 =	sadd.s32 s4, s19  }
0x9c: {  	s7 =	simm.s32 $0x0;
	s20 =	sshll.u32 s5, $0x1;
	s5 =	sadd.s32 s21, s3  }
0x9d: {  	[timem:s7], [sflag:s22] =	dma.local [hbm:s5], s20  }
0x9e: {  	_ =	swait.ge [sflag:s22], s20  }
0x9f: {  	s4 =	ssub.s32 $0x0, s20;
	[sflag:s22] =	ssyncset.done $0x0  }
0xa0: {  	[sflag:s22] =	ssyncadd.s32 s4;
	_ =	sdelay $0x1  }
0xa1: {  	s23 =	simm.s32 $0x1B8B  }
0xa2: {  	_ =	swait.ge [sflag:s23], $0x1  }
0xa3: {  	[sflag:s23] =	ssyncset.done $0x0  }
0xa4: {  	s25 =	simm.s32 $0x1B8E;
	s24 =	sld [smem:$0x3FFE];
	[sflag:s23] =	ssyncadd.s32 $0xFFFFFFFF  }
0xa5: {  	s26 =	simm.s32 $execute0_lowered;
	[smem:$0x3FD2] =	sst s25  }
0xa6: {  	s5 =	sshll.u32 s26, $0x1;
	_ =	strace $0x80000049;
	[dreg:$0x1] =	wrdreg $0xFFFFFFFF  }
0xa7: {  	s28 =	simm.s32 $_size_execute0_lowered;
	s3 =	sadd.s32 s3, s5;
	[dreg:$0x0] =	wrdreg $0x0  }
0xa8: {  	s5 =	sshll.u32 s28, $0x1;
	[dreg:$0x2] =	wrdreg s3  }
0xa9: {  	[dreg:$0x3] =	wrdreg s5  }
0xaa: {  	[dreg:$0x4] =	wrdreg $0xC0  }
0xab: {  	_ =	task [dreg:s7], $0x5FFFF  }
0xac: {  	[dreg:$0x1] =	wrdreg $0xFFFFFFFF  }
0xad: {  	[dreg:$0x0] =	wrdreg $0x60  }
0xae: {  	[dreg:$0x2] =	wrdreg s24  }
0xaf: {  	[dreg:$0x3] =	wrdreg s2  }
0xb0: {  	[dreg:$0x4] =	wrdreg $0x94800  }
0xb1: {  	[dreg:$0x5] =	wrdreg $0x1D4800  }
0xb2: {  	[dreg:$0x6] =	wrdreg $0x9  }
0xb3: {  	_ =	task.clear_ibuf [dreg:s7], $0x7FFFF;
	_ =	strace $0x90000049  }
0xb4: {  	s29 =	simm.s32 $0x9;
	_ =	strace $0x8000004B  }
0xb5: {  	_ =	swait.ge [sflag:s29], $0x1  }
0xb6: {  	[sflag:s29] =	ssyncadd.s32 $0xFFFFFFFF  }
0xb7: {  	_ =	strace $0x9000004B  }
0xb8: {  	_ =	sfence  }
0xb9: {  	s30 =	sld [smem:$0x0];
	_ =	sdelay $0x2  }
0xba: {  	s31 =	sshll.u32 s1, $0xD;
	s1 =	sshrl.u32 s1, $0x2  }
0xbb: {  	s3 =	sand.u32 $0x4000, s31;
	s1 =	sadd.s32 s1, s30  }
0xbc: {  	s0 =	sor.u32 s3, s0;
	s1 =	sshll.u32 s1, $0x11  }
0xbd: {  	s0 =	sor.u32 s1, s0  }
0xbe: {  	s0 =	sadd.s32 $0x8F2B, s0  }
0xbf: {  	[sflag:s0] =	ssyncadd.remote.s32 $0x1  }
0xc0: {  	_ =	sfence.sel $0xFFFF  }
0xc1: {  	[dreg:$0x0] =	wrdreg $0xFFFFFFFF;
	(pc) =	sbr.abs _section_cstart, $3  }
0xc2: {  	[dreg:$0x1] =	wrdreg $0xFFFFFFFF  }
0xc3: {  	_ =	task.clear_ibuf [dreg:s7], $0x2FFFF;
	_ =	strace $0x9FFFFFFF  }
0xc4: {  	(tm) =	ssettm $0x7FFFFFFF  }
0xc5: {  	_ =	shalt  }
tec
execute0_lowered:
.L_overlay_start_1:
0x0: {  	(tag) =	ssettag $0x1  }
0x1: {  	s0 =	rddreg [dreg:$0x0]  }
0x2: {  	s1 =	rddreg [dreg:$0x1]  }
0x3: {  	s2 =	rddreg [dreg:$0x2];
	s15 =	stileid.u32  }
0x4: {  	s3 =	rddreg [dreg:$0x3];
	s8 =	smul.u32 $0x14000, s15  }
0x5: {  	s4 =	srdreg.scid;
	s24 =	smul.u32 $0x500, s15  }
0x6: {  	s6 =	simm.s32 $0x0;
	s30 =	simm.s32 $0x80;
	s12 =	smul.u32 $0x3C00, s15  }
0x7: {  	s4 =	sand.u32 $0x1, s4;
	[smem:$0x7FF] =	sst s6;
	s13 =	smul.u32 $0x1400, s15  }
0x8: {  	s6 =	sadd.s32 $0x3E200, s0;
	s7 =	sadd.s32 $0x48A00, s0;
	s26 =	smul.u32 $0x50000, s15  }
0x9: {  	s9 =	sadd.s32 $0x53000, s0;
	s28 =	smul.u32 $0xA00, s15;
	s31 =	sadd.s32 $0x53010, s0  }
0xa: {  	s17 =	sadd.s32 $0x53290, s0;
	_ =	strace $0x8000004A;
	[dreg:$0x5] =	wrdreg s9  }
0xb: {  	s18 =	sadd.s32 $0x53510, s0;
	s5 =	smul.u32 $0x140000, s4;
	[dreg:$0x6] =	wrdreg s31  }
0xc: {  	s10 =	sshll.u32 s4, $0x7;
	s9 =	sadd.s32 $0xB000, s0;
	[dreg:$0xc] =	wrdreg s17  }
0xd: {  	s25 =	ssub.s32 $0x2, s4;
	p0 =	seq.s32 s4, $0x0;
	[dreg:$0xd] =	wrdreg s18  }
0xe: {  	s17 =	simm.s32 $0x2840;
	s18 =	simm.s32 $0x7200;
	s11 =	sshrl.u32 s25, $0x1  }
0xf: {  	s4 =	sshrl.u32 s26, $0x2;
	s5 =	sadd.s32 s8, s5;
	s8 =	sor.u32 s10, s24  }
0x10: {  	s14 =	ssub.s32 s25, s11;
	s10 =	sadd.s32 $0x3C000, s13;
	s25 =	sadd.s32 s4, s2  }
0x11: {  	s11 =	simm.s32 $0x6;
	s16 =	smax.u32 s14, $0x1;
	[dreg:$0x7] =	wrdreg s25  }
0x12: {  	s4 =	simm.s32 $0x3;
	s19 =	sadd.s32 $0x2000, s25;
	[dreg:$0xb] =	wrdreg s16  }
0x13: {  	s5 =	sshrl.u32 s5, $0x3;
	s20 =	sadd.s32 $0x4000, s25;
	[dreg:$0xf] =	wrdreg s19  }
0x14: {  	s8 =	sshrl.u32 s8, $0x3;
	s21 =	sadd.s32 $0x6000, s25;
	[dreg:$0x10] =	wrdreg s20  }
0x15: {  	s10 =	smov.u32 @p0 s12;
	s22 =	sadd.s32 $0x8000, s25;
	[dreg:$0x11] =	wrdreg s21  }
0x16: {  	s11 =	simm.s32 @!p0 $0x2;
	s23 =	sadd.s32 $0xA000, s25;
	[dreg:$0x12] =	wrdreg s22  }
0x17: {  	s12 =	sshrl.u32 s28, $0x2;
	s24 =	sadd.s32 $0xC000, s25;
	[dreg:$0x13] =	wrdreg s23  }
0x18: {  	s26 =	sadd.s32 $0xE000, s25;
	s28 =	sadd.s32 $0x10000, s25;
	[dreg:$0x14] =	wrdreg s24  }
0x19: {  	s31 =	sadd.s32 $0x12000, s25;
	s5 =	sadd.s32 s5, s0;
	[dreg:$0x15] =	wrdreg s26  }
0x1a: {  	s8 =	sadd.s32 s8, s0;
	s29 =	sadd.s32 s12, s3;
	[dreg:$0x16] =	wrdreg s28  }
0x1b: {  	s0 =	sadd.s32 $0x53790, s0;
	[dreg:$0x17] =	wrdreg s31;
	s12 =	simm.s32 $0x3200  }
0x1c: {  	s16 =	simm.s32 $0x40;
	s19 =	simm.s32 $0x1;
	s20 =	simm.s32 $0x5000  }
.Ltmp0:
0x1d: {  	s21 =	simm.s32 $0x5100;
	s22 =	simm.s32 $0x2;
	(pc) =	sbr.rel .LBB2_1-.Ltmp0, $4  }
0x1e: {  	s23 =	simm.s32 $0x5080;
	s24 =	simm.s32 $0x5180;
	[dreg:$0xe] =	wrdreg s0  }
0x1f: {  	s13 =	sadd.s32 $0x53A00, s5;
	s15 =	sadd.s32 $0x800, s8;
	[dreg:$0x8] =	wrdreg s29  }
0x20: {  	s5 =	simm.s32 $0x5200;
	s8 =	simm.s32 $0x2800;
	[dreg:$0x9] =	wrdreg s13  }
0x21: {  	v0 =	vimm.f32 $0.0e+00;
	[dreg:$0xa] =	wrdreg s15;
	s15 =	simm.s32 $0x3C00;
	s13 =	simm.s32 $0x0  }
.LBB2_20:
0x22: {  	s0 =	stileid.u32;
	[bflag:$0x0] =	sbarrier.arrive $0xFFFF  }
0x23: {  	s0 =	sshll.u32 s0, $0x6;
	s25 =	rddreg [dreg:$0x7]  }
0x24: {  	s14 =	rddreg [dreg:$0x9];
	s0 =	sor.u32 $0x1C03, s0;
	s13 =	sshrl.u32 s25, $0x3  }
0x25: {  	[hbm:s14], [sflag:s0] =	dma.local [spmem:s13], $0x2800  }
0x26: {  	s26 =	simm.s32 $0x20;
	_ =	swait.ge [sflag:s4], $0x2800  }
0x27: {  	s28 =	simm.s32 $0x10;
	[sflag:s4] =	ssyncset.done $0x0;
	s29 =	rddreg [dreg:$0x8]  }
0x28: {  	s31 =	rddreg [dreg:$0xa];
	[sflag:s4] =	ssyncadd.s32 $0xFFFFD800;
	s14 =	sshrl.u32 s29, $0x3  }
0x29: {  	[hbm:s31@s26], [sflag:s0] =	dma.strided [spmem:s14@s28], $0x50, s19, $0x10   }
0x2a: {  	_ =	swait.ge [sflag:s4], $0x50  }
0x2b: {  	s28 =	rddreg [dreg:$0x18]  }
0x2c: {  	s31 =	rddreg [dreg:$0xb];
	s13 =	sadd.s32 $0x1, s28  }
0x2d: {  	p0 =	sne.s32 s13, s31  }
.Ltmp1:
0x2e: {  	_ = 	snop;
	(pc) =	sbr.rel @!p0 .LBB2_21-.Ltmp1, $3  }
0x2f: {  	_ =	sdelay $0x1  }
0x30: {  	[sflag:s4] =	ssyncset.done $0x0  }
0x31: {  	s30 =	simm.s32 $0x80;
	[sflag:s4] =	ssyncadd.s32 $0xFFFFFFB0  }
.LBB2_1:
0x32: {  	[dreg:$0x18] =	wrdreg s13  }
0x33: {  	s0 =	simm.s32 $0x0;
	s26 =	rddreg [dreg:$0x5];
	s14 =	simm.s32 $0x100  }
0x34: {  	[tilespmem:s0], [sflag:$0x3] =	stream.strided.gather [hbm4b:s26+s30], $0x2800, s14, s30, $0x38;
	[tilespmem:$0x1D700] =	vst v63  }
0x35: {  	_ =	swait.ge [sflag:s4], $0x2800  }
0x36: {  	[sflag:s4] =	ssyncset.done $0x0  }
0x37: {  	s28 =	rddreg [dreg:$0x6];
	[sflag:s4] =	ssyncadd.s32 $0xFFFFD800  }
0x38: {  	[tilespmem:s12], [sflag:$0x3] =	stream.strided.gather [hbm4b:s28+s30], $0xA00, s14, s30, $0x38;
	[tilespmem:$0x1D700] =	vst v63  }
0x39: {  	_ =	swait.ge [sflag:s4], $0xA00  }
0x3a: {  	[sflag:s4] =	ssyncset.done $0x0  }
0x3b: {  	s31 =	simm.s32 $0x100;
	[sflag:s4] =	ssyncadd.s32 $0xFFFFF600  }
0x3c: {  	s13 =	simm.s32 $0x10;
	s0 =	sand.u32 $0x3FF0, s0;
	s14 =	simm.s32 $0x3200;
	v1 =	vld [tilespmem:s12+$0x0]  }
.LBB2_2:
0x3d: {  	p0 =	sne.s32 s13, $0x9F0;
	v2 =	vld [tilespmem:s0+$0x0];
	_ =	sdelay $0x2  }
.Ltmp2:
0x3e: {  	(pc) =	sbr.rel @p0 .LBB2_2-.Ltmp2, $4  }
0x3f: {  	_ = 	snop  }
0x40: {  	v1 =	vmax.f32 v2, v1  }
0x41: {  	s14 =	sadd.s32 $0x10, s14;
	[tilespmem:s0+$0x0] =	vst v1  }
0x42: {  	s0 =	sand.u32 $0x3FF0, s13;
	s13 =	sadd.s32 $0x10, s13;
	v1 =	vld [tilespmem:s14+$0x0]  }
0x43: {  	v2 =	vld [tilespmem:s0+$0x0];
	_ =	sdelay $0x4  }
0x44: {  	v1 =	vmax.f32 v2, v1  }
0x45: {  	s13 =	simm.s32 $0x3200;
	s14 =	rddreg [dreg:$0xc];
	[tilespmem:s0+$0x0] =	vst v1  }
0x46: {  	[tilespmem:s13], [sflag:$0x3] =	stream.strided.gather [hbm4b:s14+s30], $0xA00, s31, s30, $0x38;
	[tilespmem:$0x1D700] =	vst v63  }
0x47: {  	_ =	swait.ge [sflag:s4], $0xA00  }
0x48: {  	s26 =	simm.s32 $0x0;
	s14 =	simm.s32 $0xA00;
	[sflag:s4] =	ssyncset.done $0x0  }
0x49: {  	s0 =	sand.u32 $0x70, s26;
	s14 =	sand.u32 $0x3F80, s14;
	[sflag:s4] =	ssyncadd.s32 $0xFFFFF600  }
0x4a: {  	s0 =	sor.u32 s0, s14;
	v1 =	vld [tilespmem:s13+$0x0]  }
0x4b: {  	v2 =	vld [tilespmem:s0+$0x0];
	_ =	sdelay $0x3  }
0x4c: {  	s28 =	simm.s32 $0xA10  }
0x4d: {  	s26 =	simm.s32 $0x10;
	s14 =	simm.s32 $0x20;
	s13 =	simm.s32 $0x3210;
	v1 =	vmax.f32 v2, v1  }
.LBB2_4:
0x4e: {  	p0 =	sne.s32 s14, $0x9F0;
	s28 =	sand.u32 $0x3F80, s28;
	s26 =	sand.u32 $0x70, s26;
	[tilespmem:s0+$0x0] =	vst v1  }
0x4f: {  	s0 =	sor.u32 s26, s28;
	v1 =	vld [tilespmem:s13+$0x0];
	s26 =	smov.u32 s14  }
0x50: {  	v2 =	vld [tilespmem:s0+$0x0]  }
.Ltmp3:
0x51: {  	(pc) =	sbr.rel @p0 .LBB2_4-.Ltmp3, $2  }
0x52: {  	_ =	sdelay $0x2  }
0x53: {  	s14 =	sadd.s32 $0x10, s14;
	s13 =	sadd.s32 $0x10, s13;
	s28 =	sadd.s32 $0xA00, s26;
	v1 =	vmax.f32 v2, v1  }
0x54: {  	s14 =	sand.u32 $0x3F80, s28;
	s26 =	sand.u32 $0x70, s26;
	[tilespmem:s0+$0x0] =	vst v1  }
0x55: {  	s26 =	sor.u32 s26, s14;
	v1 =	vld [tilespmem:s13+$0x0]  }
0x56: {  	v2 =	vld [tilespmem:s26+$0x0];
	_ =	sdelay $0x4  }
0x57: {  	v1 =	vmax.f32 v2, v1  }
0x58: {  	s13 =	simm.s32 $0x3200;
	s14 =	rddreg [dreg:$0xd];
	[tilespmem:s26+$0x0] =	vst v1  }
0x59: {  	[tilespmem:s13], [sflag:$0x3] =	stream.strided.gather [hbm4b:s14+s30], $0xA00, s31, s30, $0x38;
	[tilespmem:$0x1D700] =	vst v63  }
0x5a: {  	_ =	swait.ge [sflag:s4], $0xA00  }
0x5b: {  	s0 =	simm.s32 $0x0;
	s26 =	simm.s32 $0x1400;
	[sflag:s4] =	ssyncset.done $0x0  }
0x5c: {  	s0 =	sand.u32 $0x70, s0;
	s14 =	sand.u32 $0x3F80, s26;
	[sflag:s4] =	ssyncadd.s32 $0xFFFFF600  }
0x5d: {  	s0 =	sor.u32 s0, s14;
	v1 =	vld [tilespmem:s13+$0x0]  }
0x5e: {  	v2 =	vld [tilespmem:s0+$0x0];
	_ =	sdelay $0x3  }
0x5f: {  	s28 =	simm.s32 $0x1410  }
0x60: {  	s26 =	simm.s32 $0x10;
	s14 =	simm.s32 $0x20;
	s13 =	simm.s32 $0x3210;
	v1 =	vmax.f32 v2, v1  }
.LBB2_6:
0x61: {  	p0 =	sne.s32 s14, $0x9F0;
	s28 =	sand.u32 $0x3F80, s28;
	s26 =	sand.u32 $0x70, s26;
	[tilespmem:s0+$0x0] =	vst v1  }
0x62: {  	s0 =	sor.u32 s26, s28;
	v1 =	vld [tilespmem:s13+$0x0];
	s26 =	smov.u32 s14  }
0x63: {  	v2 =	vld [tilespmem:s0+$0x0]  }
.Ltmp4:
0x64: {  	(pc) =	sbr.rel @p0 .LBB2_6-.Ltmp4, $2  }
0x65: {  	_ =	sdelay $0x2  }
0x66: {  	s14 =	sadd.s32 $0x10, s14;
	s13 =	sadd.s32 $0x10, s13;
	s28 =	sadd.s32 $0x1400, s26;
	v1 =	vmax.f32 v2, v1  }
0x67: {  	s14 =	sand.u32 $0x3F80, s28;
	s26 =	sand.u32 $0x70, s26;
	[tilespmem:s0+$0x0] =	vst v1  }
0x68: {  	s14 =	sor.u32 s26, s14;
	v1 =	vld [tilespmem:s13+$0x0]  }
0x69: {  	v2 =	vld [tilespmem:s14+$0x0];
	_ =	sdelay $0x4  }
0x6a: {  	v1 =	vmax.f32 v2, v1  }
0x6b: {  	s13 =	simm.s32 $0x3200;
	s26 =	rddreg [dreg:$0xe];
	[tilespmem:s14+$0x0] =	vst v1  }
0x6c: {  	[tilespmem:s13], [sflag:$0x3] =	stream.strided.gather [hbm4b:s26+s30], $0xA00, s31, s30, $0x38;
	[tilespmem:$0x1D700] =	vst v63  }
0x6d: {  	_ =	swait.ge [sflag:s4], $0xA00  }
0x6e: {  	s30 =	simm.s32 $0x0;
	s31 =	simm.s32 $0x1E00;
	[sflag:s4] =	ssyncset.done $0x0  }
0x6f: {  	s14 =	sand.u32 $0x3F80, s31;
	s0 =	sand.u32 $0x70, s30;
	[sflag:s4] =	ssyncadd.s32 $0xFFFFF600  }
0x70: {  	s0 =	sor.u32 s0, s14;
	v1 =	vld [tilespmem:s13+$0x0]  }
0x71: {  	v2 =	vld [tilespmem:s0+$0x0];
	_ =	sdelay $0x3  }
0x72: {  	s28 =	simm.s32 $0x1E10  }
0x73: {  	s26 =	simm.s32 $0x10;
	s14 =	simm.s32 $0x20;
	s13 =	simm.s32 $0x3210;
	v1 =	vmax.f32 v2, v1  }
.LBB2_8:
0x74: {  	p0 =	sne.s32 s14, $0x9F0;
	s28 =	sand.u32 $0x3F80, s28;
	s26 =	sand.u32 $0x70, s26;
	[tilespmem:s0+$0x0] =	vst v1  }
0x75: {  	s0 =	sor.u32 s26, s28;
	v1 =	vld [tilespmem:s13+$0x0];
	s26 =	smov.u32 s14  }
0x76: {  	v2 =	vld [tilespmem:s0+$0x0]  }
.Ltmp5:
0x77: {  	(pc) =	sbr.rel @p0 .LBB2_8-.Ltmp5, $2  }
0x78: {  	_ =	sdelay $0x2  }
0x79: {  	s14 =	sadd.s32 $0x10, s14;
	s13 =	sadd.s32 $0x10, s13;
	s28 =	sadd.s32 $0x1E00, s26;
	v1 =	vmax.f32 v2, v1  }
0x7a: {  	s14 =	sand.u32 $0x3F80, s28;
	s26 =	sand.u32 $0x70, s26;
	[tilespmem:s0+$0x0] =	vst v1  }
0x7b: {  	s31 =	sor.u32 s26, s14;
	v1 =	vld [tilespmem:s13+$0x0]  }
0x7c: {  	v2 =	vld [tilespmem:s31+$0x0];
	_ =	sdelay $0x4  }
0x7d: {  	v1 =	vmax.f32 v2, v1  }
0x7e: {  	s0 =	simm.s32 $0x0;
	s13 =	simm.s32 $0x200;
	[tilespmem:s31+$0x0] =	vst v1  }
.LBB2_10:
0x7f: {  	p0 =	sne.s32 s13, $0x7E00;
	[tilespmem:s0+$0x5270] =	vst v0  }
0x80: {  	[tilespmem:s0+$0x5200] =	vst v0  }
0x81: {  	[tilespmem:s0+$0x5210] =	vst v0  }
.Ltmp6:
0x82: {  	[tilespmem:s0+$0x5220] =	vst v0;
	(pc) =	sbr.rel @p0 .LBB2_10-.Ltmp6, $4  }
0x83: {  	[tilespmem:s0+$0x5230] =	vst v0  }
0x84: {  	[tilespmem:s0+$0x5240] =	vst v0  }
0x85: {  	[tilespmem:s0+$0x5250] =	vst v0  }
0x86: {  	[tilespmem:s0+$0x5260] =	vst v0;
	s0 =	sshra.s32 s13, $0x2;
	s13 =	sadd.s32 $0x200, s13  }
0x87: {  	[tilespmem:s0+$0x5270] =	vst v0  }
0x88: {  	[tilespmem:s0+$0x5200] =	vst v0  }
0x89: {  	[tilespmem:s0+$0x5210] =	vst v0  }
0x8a: {  	[tilespmem:s0+$0x5220] =	vst v0  }
0x8b: {  	[tilespmem:s0+$0x5230] =	vst v0  }
0x8c: {  	[tilespmem:s0+$0x5240] =	vst v0  }
0x8d: {  	[tilespmem:s0+$0x5250] =	vst v0  }
0x8e: {  	[tilespmem:s0+$0x5260] =	vst v0  }
0x8f: {  	[tilespmem:$0x9200] =	vst v0  }
0x90: {  	[tilespmem:$0x9210] =	vst v0  }
0x91: {  	[tilespmem:$0x9220] =	vst v0  }
0x92: {  	[tilespmem:$0x9230] =	vst v0  }
0x93: {  	[tilespmem:$0x9240] =	vst v0  }
0x94: {  	[tilespmem:$0x9250] =	vst v0  }
0x95: {  	[tilespmem:$0x9260] =	vst v0  }
0x96: {  	[tilespmem:$0x9270] =	vst v0  }
0x97: {  	[tilespmem:$0x9280] =	vst v0  }
0x98: {  	[tilespmem:$0x9290] =	vst v0  }
0x99: {  	[tilespmem:$0x92A0] =	vst v0  }
0x9a: {  	[tilespmem:$0x92B0] =	vst v0  }
0x9b: {  	[tilespmem:$0x92C0] =	vst v0  }
0x9c: {  	[tilespmem:$0x92D0] =	vst v0  }
0x9d: {  	[tilespmem:$0x92E0] =	vst v0  }
0x9e: {  	[tilespmem:$0x92F0] =	vst v0  }
0x9f: {  	[tilespmem:$0x9300] =	vst v0  }
0xa0: {  	[tilespmem:$0x9310] =	vst v0  }
0xa1: {  	[tilespmem:$0x9320] =	vst v0  }
0xa2: {  	[tilespmem:$0x9330] =	vst v0  }
0xa3: {  	[tilespmem:$0x9340] =	vst v0  }
0xa4: {  	[tilespmem:$0x9350] =	vst v0  }
0xa5: {  	[tilespmem:$0x9360] =	vst v0  }
0xa6: {  	[tilespmem:$0x9370] =	vst v0  }
0xa7: {  	[tilespmem:$0x9380] =	vst v0  }
0xa8: {  	[tilespmem:$0x9390] =	vst v0  }
0xa9: {  	[tilespmem:$0x93A0] =	vst v0  }
0xaa: {  	[tilespmem:$0x93B0] =	vst v0  }
0xab: {  	[tilespmem:$0x93C0] =	vst v0  }
0xac: {  	[tilespmem:$0x93D0] =	vst v0  }
0xad: {  	[tilespmem:$0x93E0] =	vst v0  }
0xae: {  	[tilespmem:$0x93F0] =	vst v0  }
0xaf: {  	[tilespmem:$0x9400] =	vst v0  }
0xb0: {  	[tilespmem:$0x9410] =	vst v0  }
0xb1: {  	[tilespmem:$0x9420] =	vst v0  }
0xb2: {  	[tilespmem:$0x9430] =	vst v0  }
0xb3: {  	[tilespmem:$0x9440] =	vst v0  }
0xb4: {  	[tilespmem:$0x9450] =	vst v0  }
0xb5: {  	[tilespmem:$0x9460] =	vst v0  }
0xb6: {  	[tilespmem:$0x9470] =	vst v0  }
0xb7: {  	[spmem:s25] =	stream.linear.scatter [tilespmem:s5], [sflag:$0x3], $0x2000, $0x38;
	[tilespmem:$0x1D700] =	vst v63  }
0xb8: {  	_ =	swait.ge [sflag:s4], $0x2000  }
0xb9: {  	[sflag:s4] =	ssyncset.done $0x0  }
0xba: {  	s25 =	rddreg [dreg:$0xf];
	[sflag:s4] =	ssyncadd.s32 $0xFFFFE000  }
0xbb: {  	[spmem:s25] =	stream.linear.scatter [tilespmem:s5], [sflag:$0x3], $0x2000, $0x38;
	[tilespmem:$0x1D700] =	vst v63  }
0xbc: {  	_ =	swait.ge [sflag:s4], $0x2000  }
0xbd: {  	[sflag:s4] =	ssyncset.done $0x0  }
0xbe: {  	s26 =	rddreg [dreg:$0x10];
	[sflag:s4] =	ssyncadd.s32 $0xFFFFE000  }
0xbf: {  	[spmem:s26] =	stream.linear.scatter [tilespmem:s5], [sflag:$0x3], $0x2000, $0x38;
	[tilespmem:$0x1D700] =	vst v63  }
0xc0: {  	_ =	swait.ge [sflag:s4], $0x2000  }
0xc1: {  	[sflag:s4] =	ssyncset.done $0x0  }
0xc2: {  	s30 =	rddreg [dreg:$0x11];
	[sflag:s4] =	ssyncadd.s32 $0xFFFFE000  }
0xc3: {  	[spmem:s30] =	stream.linear.scatter [tilespmem:s5], [sflag:$0x3], $0x2000, $0x38;
	[tilespmem:$0x1D700] =	vst v63  }
0xc4: {  	_ =	swait.ge [sflag:s4], $0x2000  }
0xc5: {  	[sflag:s4] =	ssyncset.done $0x0  }
0xc6: {  	s31 =	rddreg [dreg:$0x12];
	[sflag:s4] =	ssyncadd.s32 $0xFFFFE000  }
0xc7: {  	[spmem:s31] =	stream.linear.scatter [tilespmem:s5], [sflag:$0x3], $0x2000, $0x38;
	[tilespmem:$0x1D700] =	vst v63  }
0xc8: {  	_ =	swait.ge [sflag:s4], $0x2000  }
0xc9: {  	[sflag:s4] =	ssyncset.done $0x0  }
0xca: {  	s13 =	rddreg [dreg:$0x13];
	[sflag:s4] =	ssyncadd.s32 $0xFFFFE000  }
0xcb: {  	[spmem:s13] =	stream.linear.scatter [tilespmem:s5], [sflag:$0x3], $0x2000, $0x38;
	[tilespmem:$0x1D700] =	vst v63  }
0xcc: {  	_ =	swait.ge [sflag:s4], $0x2000  }
0xcd: {  	[sflag:s4] =	ssyncset.done $0x0  }
0xce: {  	s14 =	rddreg [dreg:$0x14];
	[sflag:s4] =	ssyncadd.s32 $0xFFFFE000  }
0xcf: {  	[spmem:s14] =	stream.linear.scatter [tilespmem:s5], [sflag:$0x3], $0x2000, $0x38;
	[tilespmem:$0x1D700] =	vst v63  }
0xd0: {  	_ =	swait.ge [sflag:s4], $0x2000  }
0xd1: {  	[sflag:s4] =	ssyncset.done $0x0  }
0xd2: {  	s25 =	rddreg [dreg:$0x15];
	[sflag:s4] =	ssyncadd.s32 $0xFFFFE000  }
0xd3: {  	[spmem:s25] =	stream.linear.scatter [tilespmem:s5], [sflag:$0x3], $0x2000, $0x38;
	[tilespmem:$0x1D700] =	vst v63  }
0xd4: {  	_ =	swait.ge [sflag:s4], $0x2000  }
0xd5: {  	[sflag:s4] =	ssyncset.done $0x0  }
0xd6: {  	s26 =	rddreg [dreg:$0x16];
	[sflag:s4] =	ssyncadd.s32 $0xFFFFE000  }
0xd7: {  	[spmem:s26] =	stream.linear.scatter [tilespmem:s5], [sflag:$0x3], $0x2000, $0x38;
	[tilespmem:$0x1D700] =	vst v63  }
0xd8: {  	_ =	swait.ge [sflag:s4], $0x2000  }
0xd9: {  	[sflag:s4] =	ssyncset.done $0x0  }
0xda: {  	s30 =	rddreg [dreg:$0x17];
	[sflag:s4] =	ssyncadd.s32 $0xFFFFE000  }
0xdb: {  	[spmem:s30] =	stream.linear.scatter [tilespmem:s5], [sflag:$0x3], $0x2000, $0x38;
	[tilespmem:$0x1D700] =	vst v63  }
0xdc: {  	_ =	swait.ge [sflag:s4], $0x2000  }
0xdd: {  	[sflag:s4] =	ssyncset.done $0x0  }
0xde: {  	s31 =	simm.s32 $0x9200;
	[sflag:s4] =	ssyncadd.s32 $0xFFFFE000  }
0xdf: {  	[spmem:s29] =	stream.linear.scatter [tilespmem:s31], [sflag:$0x3], $0x280, $0x38;
	[tilespmem:$0x1D700] =	vst v63  }
.Ltmp7:
0xe0: {  	_ =	swait.ge [sflag:s4], $0x280;
	(pc) =	sbr.rel .LBB2_12-.Ltmp7, $4  }
0xe1: {  	[sflag:s4] =	ssyncset.done $0x0  }
0xe2: {  	[sflag:s4] =	ssyncadd.s32 $0xFFFFFD80  }
0xe3: {  	[bflag:$0x0] =	sbarrier.arrive $0xFFFF  }
0xe4: {  	s28 =	simm.s32 $0x0;
	s26 =	simm.s32 $0x0  }
.LBB2_19:
0xe5: {  	s28 =	sadd.s32 $0x1, s28  }
0xe6: {  	p0 =	sne.s32 s28, s11  }
.Ltmp8:
0xe7: {  	_ = 	snop;
	(pc) =	sbr.rel @!p0 .LBB2_20-.Ltmp8, $1  }
0xe8: {  	_ =	sdelay $0x3  }
.LBB2_12:
0xe9: {  	s0 =	smul.u32 $0xA00, s28;
	_ =	sdelay $0x1  }
0xea: {  	s0 =	sadd.s32 s10, s0  }
0xeb: {  	s13 =	sshrl.u32 s0, $0x3  }
0xec: {  	s14 =	sadd.s32 s6, s13  }
0xed: {  	[tilespmem:s8], [sflag:$0x3] =	stream.linear.gather [hbm4b:s14+s26], $0xA00, $0x38;
	[tilespmem:$0x1D700] =	vst v63  }
0xee: {  	_ =	swait.ge [sflag:s4], $0xA00  }
0xef: {  	[sflag:s4] =	ssyncset.done $0x0  }
0xf0: {  	s13 =	sadd.s32 s7, s13;
	[sflag:s4] =	ssyncadd.s32 $0xFFFFF600  }
0xf1: {  	[tilespmem:s12], [sflag:$0x3] =	stream.linear.gather [hbm4b:s13+s26], $0xA00, $0x38;
	[tilespmem:$0x1D700] =	vst v63  }
0xf2: {  	_ =	swait.ge [sflag:s4], $0xA00  }
0xf3: {  	s0 =	sshrl.u32 s0, $0x2;
	[sflag:s4] =	ssyncset.done $0x0  }
0xf4: {  	s0 =	sadd.s32 s1, s0;
	[sflag:s4] =	ssyncadd.s32 $0xFFFFF600  }
0xf5: {  	[tilespmem:s15], [sflag:$0x3] =	stream.linear.gather [hbm4b:s0+s26], $0x1400, $0x38;
	[tilespmem:$0x1D700] =	vst v63  }
0xf6: {  	_ =	swait.ge [sflag:s4], $0x1400  }
0xf7: {  	[sflag:s4] =	ssyncset.done $0x0  }
0xf8: {  	[sflag:s4] =	ssyncadd.s32 $0xFFFFEC00  }
0xf9: {  	[tilespmem:s5], [sflag:$0x1] =	stream.indirect.gather [hbm4b:s9+s16], $0x80, s8, s16, $0xb8;
	[tilespmem:$0x1D700] =	vst v63  }
0xfa: {  	s29 =	simm.s32 $0x0  }
0xfb: {  	[tilespmem:s18], [sflag:$0x2] =	stream.indirect.gather [hbm4b:s9+s16], $0x80, s17, s16, $0xb8;
	[tilespmem:$0x1D700] =	vst v63  }
.LBB2_13:
0xfc: {  	s0 =	sshll.u32 s29, $0x8  }
0xfd: {  	s0 =	sand.u32 $0x3FFFFF00, s0  }
0xfe: {  	v1 =	vld [tilespmem:s0+$0x3C00];
	_ =	sdelay $0x4  }
0xff: {  	s14 =	sshll.u32 s29, $0x9  }
0x100: {  	s30 =	sshrl.u32 s14, $0x2;
	[tilespmem:$0x5100] =	vst v1  }
0x101: {  	s13 =	simm.s32 $0x0;
	v2 =	vld [tilespmem:s30+$0x3200]  }
0x102: {  	v1 =	vld.idx.msk [tilespmem:v1+s13+$0x0], $0xffff;
	_ =	sdelay $0x4  }
0x103: {  	v1 =	vsub.f32 v2, v1;
	_ =	sdelay $0x1  }
0x104: {  	v1 =	vmul.f32 $1.442695020e+00, v1;
	_ =	sdelay $0x1  }
0x105: {  	(erf) = vpow2.f32 v1;
	_ =	sdelay $0x8  }
0x106: {  	v1 =	vpop (erf)  }
0x107: {  	[tilespmem:$0x5000] =	vst v1  }
0x108: {  	v1 =	vld [tilespmem:s0+$0x3C10];
	_ =	sdelay $0x5  }
0x109: {  	[tilespmem:$0x5110] =	vst v1  }
0x10a: {  	v2 =	vld [tilespmem:s30+$0x3210]  }
0x10b: {  	v1 =	vld.idx.msk [tilespmem:v1+s13+$0x0], $0xffff;
	_ =	sdelay $0x4  }
0x10c: {  	v1 =	vsub.f32 v2, v1;
	_ =	sdelay $0x1  }
0x10d: {  	v1 =	vmul.f32 $1.442695020e+00, v1;
	_ =	sdelay $0x1  }
0x10e: {  	(erf) = vpow2.f32 v1;
	_ =	sdelay $0x8  }
0x10f: {  	v1 =	vpop (erf)  }
0x110: {  	[tilespmem:$0x5010] =	vst v1  }
0x111: {  	v1 =	vld [tilespmem:s0+$0x3C20];
	_ =	sdelay $0x5  }
0x112: {  	[tilespmem:$0x5120] =	vst v1  }
0x113: {  	v2 =	vld [tilespmem:s30+$0x3220]  }
0x114: {  	v1 =	vld.idx.msk [tilespmem:v1+s13+$0x0], $0xffff;
	_ =	sdelay $0x4  }
0x115: {  	v1 =	vsub.f32 v2, v1;
	_ =	sdelay $0x1  }
0x116: {  	v1 =	vmul.f32 $1.442695020e+00, v1;
	_ =	sdelay $0x1  }
0x117: {  	(erf) = vpow2.f32 v1;
	_ =	sdelay $0x8  }
0x118: {  	v1 =	vpop (erf)  }
0x119: {  	[tilespmem:$0x5020] =	vst v1  }
0x11a: {  	v1 =	vld [tilespmem:s0+$0x3C30];
	_ =	sdelay $0x5  }
0x11b: {  	[tilespmem:$0x5130] =	vst v1  }
0x11c: {  	v2 =	vld [tilespmem:s30+$0x3230]  }
0x11d: {  	v1 =	vld.idx.msk [tilespmem:v1+s13+$0x0], $0xffff;
	_ =	sdelay $0x4  }
0x11e: {  	v1 =	vsub.f32 v2, v1;
	_ =	sdelay $0x1  }
0x11f: {  	v1 =	vmul.f32 $1.442695020e+00, v1;
	_ =	sdelay $0x1  }
0x120: {  	(erf) = vpow2.f32 v1;
	_ =	sdelay $0x8  }
0x121: {  	v1 =	vpop (erf)  }
0x122: {  	[tilespmem:$0x5030] =	vst v1  }
0x123: {  	_ =	swait.ge [sflag:s19], $0x2000  }
0x124: {  	v1 =	vmov s13;
	[sflag:s19] =	ssyncset.done $0x0  }
0x125: {  	s13 =	simm.s32 $0x5240;
	[sflag:s19] =	ssyncadd.s32 $0xFFFFE000  }
0x126: {  	v5 =	vld [tilespmem:s13+$0x30]  }
0x127: {  	v8 =	vld [tilespmem:s13+$0x10]  }
0x128: {  	v6 =	vld [tilespmem:s13+$0xFFFFFFC0]  }
0x129: {  	v2 =	vld.idx.msk [tilespmem:v1+s20+$0x0], $0xffff  }
0x12a: {  	v10 =	vld [tilespmem:s13+$0xFFFFFFE0]  }
0x12b: {  	v3 =	vld [tilespmem:s13+$0x20]  }
0x12c: {  	v4 =	vld [tilespmem:s13+$0xFFFFFFD0]  }
0x12d: {  	v1 =	vld [tilespmem:s13+$0xFFFFFFF0]  }
0x12e: {  	v9 =	vmul.f32 v5, v2;
	v5 =	vld [tilespmem:s13+$0x0]  }
0x12f: {  	v7 =	vmul.f32 v6, v2  }
0x130: {  	s31 =	simm.s32 $0x1;
	s0 =	simm.s32 $0x5240;
	v6 =	vmul.f32 v10, v2;
	v8 =	vmul.f32 v8, v2  }
.LBB2_14:
0x131: {  	p0 =	sne.s32 s31, $0x3F  }
0x132: {  	v4 =	vmul.f32 v4, v2;
	v3 =	vmul.f32 v3, v2;
	[tilespmem:s13+$0x30] =	vst v9;
	s0 =	sadd.s32 $0x80, s0;
	s25 =	smov.u32 s31;
	s31 =	sadd.s32 $0x1, s31  }
0x133: {  	[tilespmem:s13+$0xFFFFFFC0] =	vst v7;
	v7 =	vmul.f32 v1, v2;
	v2 =	vmul.f32 v5, v2  }
0x134: {  	[tilespmem:s13+$0x10] =	vst v8  }
0x135: {  	v5 =	vmov s25;
	[tilespmem:s13+$0xFFFFFFE0] =	vst v6  }
0x136: {  	v1 =	vld [tilespmem:s0+$0xFFFFFFF0];
	[tilespmem:s13+$0xFFFFFFF0] =	vst v7  }
0x137: {  	v6 =	vld [tilespmem:s0+$0x30];
	[tilespmem:s13+$0x0] =	vst v2  }
0x138: {  	v8 =	vld [tilespmem:s0+$0x10];
	[tilespmem:s13+$0x20] =	vst v3  }
0x139: {  	v7 =	vld [tilespmem:s0+$0xFFFFFFC0];
	[tilespmem:s13+$0xFFFFFFD0] =	vst v4;
	s13 =	smov.u32 s0  }
0x13a: {  	v2 =	vld.idx.msk [tilespmem:v5+s20+$0x0], $0xffff  }
0x13b: {  	v10 =	vld [tilespmem:s0+$0xFFFFFFE0]  }
0x13c: {  	v3 =	vld [tilespmem:s0+$0x20]  }
.Ltmp9:
0x13d: {  	v4 =	vld [tilespmem:s0+$0xFFFFFFD0];
	(pc) =	sbr.rel @p0 .LBB2_14-.Ltmp9, $3  }
0x13e: {  	v5 =	vld [tilespmem:s0+$0x0];
	_ =	sdelay $0x1  }
0x13f: {  	v7 =	vmul.f32 v7, v2;
	v9 =	vmul.f32 v6, v2  }
0x140: {  	v8 =	vmul.f32 v8, v2;
	v6 =	vmul.f32 v10, v2  }
0x141: {  	[tilespmem:s13+$0x30] =	vst v9  }
0x142: {  	[tilespmem:s13+$0xFFFFFFC0] =	vst v7  }
0x143: {  	v1 =	vmul.f32 v1, v2;
	[tilespmem:s13+$0x10] =	vst v8  }
0x144: {  	v3 =	vmul.f32 v3, v2;
	[tilespmem:s13+$0xFFFFFFE0] =	vst v6  }
0x145: {  	v5 =	vmul.f32 v5, v2;
	[tilespmem:s13+$0xFFFFFFF0] =	vst v1  }
0x146: {  	v1 =	vmul.f32 v4, v2;
	[tilespmem:s13+$0x20] =	vst v3  }
0x147: {  	[tilespmem:s13+$0x0] =	vst v5  }
0x148: {  	[tilespmem:s13+$0xFFFFFFD0] =	vst v1  }
0x149: {  	[spmem:s3] =	stream.indirect.scatter.add.f32 [tilespmem:s20], [sflag:$0x3], $0x1, s21, s16, $0xb8;
	[tilespmem:$0x1D700] =	vst v63  }
0x14a: {  	_ =	swait.ge [sflag:s4], $0x40  }
0x14b: {  	[sflag:s4] =	ssyncset.done $0x0  }
0x14c: {  	p0 =	seq.s32 s29, $0x13;
	[sflag:s4] =	ssyncadd.s32 $0xFFFFFFC0  }
0x14d: {  	[spmem:s2] =	stream.indirect.scatter.add.f32 [tilespmem:s5], [sflag:$0x3], $0x80, s21, s16, $0xb8;
	[tilespmem:$0x1D700] =	vst v63  }
0x14e: {  	s0 =	sshll.u32 s29, $0x1;
	s25 =	simm.s32 @!p0 $0x5200;
	_ =	swait.ge [sflag:s4], $0x2000  }
0x14f: {  	s0 =	sor.u32 $0x1, s0;
	s13 =	sshrl.u32 @!p0 s14, $0x2;
	[sflag:s4] =	ssyncset.done $0x0  }
0x150: {  	s14 =	simm.s32 @!p0 $0x40;
	s13 =	sadd.s32 @!p0 $0x2880, s13;
	[sflag:s4] =	ssyncadd.s32 $0xFFFFE000  }
0x151: {  	[tilespmem:s25], [sflag:$0x1] =	stream.indirect.gather @!p0 [hbm4b:s9+s14], $0x80, s13, s14, $0xb8;
	[tilespmem:$0x1D700] =	vst v63  }
0x152: {  	s25 =	sshll.u32 s0, $0x7  }
0x153: {  	s13 =	sand.u32 $0x3FFFFF80, s25  }
0x154: {  	v1 =	vld [tilespmem:s13+$0x3C00];
	_ =	sdelay $0x4  }
0x155: {  	s0 =	sshll.u32 s0, $0x6  }
0x156: {  	s0 =	sand.u32 $0x3FFFFFC0, s0;
	[tilespmem:$0x5180] =	vst v1  }
0x157: {  	s31 =	simm.s32 $0x0;
	v2 =	vld [tilespmem:s0+$0x3200]  }
0x158: {  	v1 =	vld.idx.msk [tilespmem:v1+s31+$0x0], $0xffff;
	_ =	sdelay $0x4  }
0x159: {  	v1 =	vsub.f32 v2, v1;
	_ =	sdelay $0x1  }
0x15a: {  	v1 =	vmul.f32 $1.442695020e+00, v1;
	_ =	sdelay $0x1  }
0x15b: {  	(erf) = vpow2.f32 v1;
	_ =	sdelay $0x8  }
0x15c: {  	v1 =	vpop (erf)  }
0x15d: {  	[tilespmem:$0x5080] =	vst v1  }
0x15e: {  	v1 =	vld [tilespmem:s13+$0x3C10];
	_ =	sdelay $0x5  }
0x15f: {  	[tilespmem:$0x5190] =	vst v1  }
0x160: {  	v2 =	vld [tilespmem:s0+$0x3210]  }
0x161: {  	v1 =	vld.idx.msk [tilespmem:v1+s31+$0x0], $0xffff;
	_ =	sdelay $0x4  }
0x162: {  	v1 =	vsub.f32 v2, v1;
	_ =	sdelay $0x1  }
0x163: {  	v1 =	vmul.f32 $1.442695020e+00, v1;
	_ =	sdelay $0x1  }
0x164: {  	(erf) = vpow2.f32 v1;
	_ =	sdelay $0x8  }
0x165: {  	v1 =	vpop (erf)  }
0x166: {  	[tilespmem:$0x5090] =	vst v1  }
0x167: {  	v1 =	vld [tilespmem:s13+$0x3C20];
	_ =	sdelay $0x5  }
0x168: {  	[tilespmem:$0x51A0] =	vst v1  }
0x169: {  	v2 =	vld [tilespmem:s0+$0x3220]  }
0x16a: {  	v1 =	vld.idx.msk [tilespmem:v1+s31+$0x0], $0xffff;
	_ =	sdelay $0x4  }
0x16b: {  	v1 =	vsub.f32 v2, v1;
	_ =	sdelay $0x1  }
0x16c: {  	v1 =	vmul.f32 $1.442695020e+00, v1;
	_ =	sdelay $0x1  }
0x16d: {  	(erf) = vpow2.f32 v1;
	_ =	sdelay $0x8  }
0x16e: {  	v1 =	vpop (erf)  }
0x16f: {  	[tilespmem:$0x50A0] =	vst v1  }
0x170: {  	v1 =	vld [tilespmem:s13+$0x3C30];
	_ =	sdelay $0x5  }
0x171: {  	[tilespmem:$0x51B0] =	vst v1  }
0x172: {  	v2 =	vld [tilespmem:s0+$0x3230]  }
0x173: {  	v1 =	vld.idx.msk [tilespmem:v1+s31+$0x0], $0xffff;
	_ =	sdelay $0x4  }
0x174: {  	v1 =	vsub.f32 v2, v1;
	_ =	sdelay $0x1  }
0x175: {  	v1 =	vmul.f32 $1.442695020e+00, v1;
	_ =	sdelay $0x1  }
0x176: {  	(erf) = vpow2.f32 v1;
	_ =	sdelay $0x8  }
0x177: {  	v1 =	vpop (erf)  }
0x178: {  	[tilespmem:$0x50B0] =	vst v1  }
0x179: {  	_ =	swait.ge [sflag:s22], $0x2000  }
0x17a: {  	v1 =	vmov s31;
	[sflag:s22] =	ssyncset.done $0x0  }
0x17b: {  	s13 =	simm.s32 $0x7240;
	[sflag:s22] =	ssyncadd.s32 $0xFFFFE000  }
0x17c: {  	v5 =	vld [tilespmem:s13+$0x30]  }
0x17d: {  	v8 =	vld [tilespmem:s13+$0x10]  }
0x17e: {  	v6 =	vld [tilespmem:s13+$0xFFFFFFC0]  }
0x17f: {  	v2 =	vld.idx.msk [tilespmem:v1+s23+$0x0], $0xffff  }
0x180: {  	v10 =	vld [tilespmem:s13+$0xFFFFFFE0]  }
0x181: {  	v3 =	vld [tilespmem:s13+$0x20]  }
0x182: {  	v4 =	vld [tilespmem:s13+$0xFFFFFFD0]  }
0x183: {  	v1 =	vld [tilespmem:s13+$0xFFFFFFF0]  }
0x184: {  	v9 =	vmul.f32 v5, v2;
	v5 =	vld [tilespmem:s13+$0x0]  }
0x185: {  	v7 =	vmul.f32 v6, v2  }
0x186: {  	s14 =	simm.s32 $0x1;
	s0 =	simm.s32 $0x7240;
	v6 =	vmul.f32 v10, v2;
	v8 =	vmul.f32 v8, v2  }
.LBB2_16:
0x187: {  	p1 =	sne.s32 s14, $0x3F  }
0x188: {  	v4 =	vmul.f32 v4, v2;
	v3 =	vmul.f32 v3, v2;
	[tilespmem:s13+$0x30] =	vst v9;
	s0 =	sadd.s32 $0x80, s0;
	s25 =	smov.u32 s14;
	s14 =	sadd.s32 $0x1, s14  }
0x189: {  	[tilespmem:s13+$0xFFFFFFC0] =	vst v7;
	v7 =	vmul.f32 v1, v2;
	v2 =	vmul.f32 v5, v2  }
0x18a: {  	[tilespmem:s13+$0x10] =	vst v8  }
0x18b: {  	v5 =	vmov s25;
	[tilespmem:s13+$0xFFFFFFE0] =	vst v6  }
0x18c: {  	v1 =	vld [tilespmem:s0+$0xFFFFFFF0];
	[tilespmem:s13+$0xFFFFFFF0] =	vst v7  }
0x18d: {  	v6 =	vld [tilespmem:s0+$0x30];
	[tilespmem:s13+$0x0] =	vst v2  }
0x18e: {  	v8 =	vld [tilespmem:s0+$0x10];
	[tilespmem:s13+$0x20] =	vst v3  }
0x18f: {  	v7 =	vld [tilespmem:s0+$0xFFFFFFC0];
	[tilespmem:s13+$0xFFFFFFD0] =	vst v4;
	s13 =	smov.u32 s0  }
0x190: {  	v2 =	vld.idx.msk [tilespmem:v5+s23+$0x0], $0xffff  }
0x191: {  	v10 =	vld [tilespmem:s0+$0xFFFFFFE0]  }
0x192: {  	v3 =	vld [tilespmem:s0+$0x20]  }
.Ltmp10:
0x193: {  	v4 =	vld [tilespmem:s0+$0xFFFFFFD0];
	(pc) =	sbr.rel @p1 .LBB2_16-.Ltmp10, $3  }
0x194: {  	v5 =	vld [tilespmem:s0+$0x0];
	_ =	sdelay $0x1  }
0x195: {  	v7 =	vmul.f32 v7, v2;
	v9 =	vmul.f32 v6, v2  }
0x196: {  	v8 =	vmul.f32 v8, v2;
	v6 =	vmul.f32 v10, v2  }
0x197: {  	[tilespmem:s13+$0x30] =	vst v9  }
0x198: {  	[tilespmem:s13+$0xFFFFFFC0] =	vst v7  }
0x199: {  	v1 =	vmul.f32 v1, v2;
	[tilespmem:s13+$0x10] =	vst v8  }
0x19a: {  	v3 =	vmul.f32 v3, v2;
	[tilespmem:s13+$0xFFFFFFE0] =	vst v6  }
0x19b: {  	v5 =	vmul.f32 v5, v2;
	[tilespmem:s13+$0xFFFFFFF0] =	vst v1  }
0x19c: {  	v1 =	vmul.f32 v4, v2;
	[tilespmem:s13+$0x20] =	vst v3  }
0x19d: {  	[tilespmem:s13+$0x0] =	vst v5  }
0x19e: {  	[tilespmem:s13+$0xFFFFFFD0] =	vst v1  }
0x19f: {  	[spmem:s3] =	stream.indirect.scatter.add.f32 [tilespmem:s23], [sflag:$0x3], $0x1, s24, s16, $0xb8;
	[tilespmem:$0x1D700] =	vst v63  }
0x1a0: {  	_ =	swait.ge [sflag:s4], $0x40  }
0x1a1: {  	[sflag:s4] =	ssyncset.done $0x0  }
.Ltmp11:
0x1a2: {  	[sflag:s4] =	ssyncadd.s32 $0xFFFFFFC0;
	(pc) =	sbr.rel @p0 .LBB2_19-.Ltmp11, $4  }
0x1a3: {  	[spmem:s2] =	stream.indirect.scatter.add.f32 [tilespmem:s18], [sflag:$0x3], $0x80, s24, s16, $0xb8;
	[tilespmem:$0x1D700] =	vst v63  }
0x1a4: {  	_ =	swait.ge [sflag:s4], $0x2000  }
0x1a5: {  	[sflag:s4] =	ssyncset.done $0x0  }
0x1a6: {  	[sflag:s4] =	ssyncadd.s32 $0xFFFFE000  }
.Ltmp12:
0x1a7: {  	(pc) =	sbr.rel .LBB2_13-.Ltmp12, $3  }
0x1a8: {  	_ =	sdelay $0x1  }
0x1a9: {  	s0 =	sadd.s32 $0x28C0, s30;
	s29 =	sadd.s32 $0x1, s29  }
0x1aa: {  	[tilespmem:s18], [sflag:$0x2] =	stream.indirect.gather [hbm4b:s9+s16], $0x80, s0, s16, $0xb8;
	[tilespmem:$0x1D700] =	vst v63  }
.LBB2_21:
0x1ab: {  	_ =	sfence.sel $0x180000  }
0x1ac: {  	[bflag:$0x0] =	sbarrier.arrive $0xFFFF  }
0x1ad: {  	_ =	strace $0x9000004A  }
0x1ae: {  	s0 =	stileid.u32;
	[bflag:$0x2] =	sbarrier.arrive $0xFFFF  }
0x1af: {  	p0 =	sne.s32 s0, $0x0;
	s0 =	rddreg [dreg:$0x4]  }
0x1b0: {  	s0 =	sadd.s32 @!p0 $0x100000, s0  }
0x1b1: {  	[sflag:s0] =	ssyncadd.tile.s32 @!p0 $0x1;
	_ =	shalt  }
.Lfunc_end2:
_tile_overlayer_lowered:
.L_overlay_start_2:
0x1b2: {  	(tag) =	ssettag $0x2  }
0x1b3: {  	s0 =	rddreg [dreg:$0x0];
	s2 =	stileid.u32  }
0x1b4: {  	s1 =	rddreg [dreg:$0x1];
	p0 =	sne.s32 s2, $0x0  }
0x1b5: {  	s3 =	rddreg [dreg:$0x2];
	[bflag:$0x3] =	sbarrier.arrive $0xFFFF;
	s2 =	simm.s32 @!p0 $0x1C03  }
0x1b6: {  	[timem:s3], [sflag:s2] =	dma.local @!p0 [hbm:s0], s1  }
0x1b7: {  	s0 =	simm.s32 @!p0 $0x3  }
0x1b8: {  	_ =	swait.ge @!p0 [sflag:s0], s1  }
0x1b9: {  	s1 =	ssub.s32 @!p0 $0x0, s1;
	[sflag:s0] =	ssyncset.done @!p0 $0x0  }
0x1ba: {  	[sflag:s0] =	ssyncadd.s32 @!p0 s1  }
0x1bb: {  	[bflag:$0x3] =	sbarrier.arrive $0xFFFF  }
0x1bc: {  	_ =	shalt  }

</sc_bundles>
